<compile_context>
chip_gen: v7x
topology: tpu7x:2x2x1
jax: 0.10.2.dev20260603
libtpu: 0.0.44.dev20260713+nightly
codegen_flags: <defaults>
</compile_context>

<pallas_src>
import functools

import jax
import jax.numpy as jnp
from jax import lax
from jax.experimental import pallas as pl
from jax.experimental.pallas import tpu as pltpu
from jax.experimental.pallas import tpu_sc as plsc

KTOP = 5
BN = 512

_NC = 2
_NS = 16
_NW = _NC * _NS

_BIGI = 2**30


def _tourney(s, i, monotone_first=False):
    n = s.shape[0]
    p = 1 << (n - 1).bit_length()
    if p != n:
        s = jnp.concatenate(
            [s, jnp.full((p - n,) + s.shape[1:], -jnp.inf, s.dtype)], axis=0)
        i = jnp.concatenate(
            [i, jnp.full((p - n,) + i.shape[1:], _BIGI, i.dtype)], axis=0)
    first = monotone_first
    while s.shape[0] > 1:
        h = s.shape[0] // 2
        s1, s2 = s[:h], s[h:]
        i1, i2 = i[:h], i[h:]
        if first:
            pred = s2 > s1
            first = False
        else:
            pred = (s2 > s1) | ((s2 == s1) & (i2 < i1))
        s = jnp.where(pred, s2, s1)
        i = jnp.where(pred, i2, i1)
    return s, i


def _extract5(s, i):
    ts, ti = [], []
    for j in range(KTOP):
        m, sel = _tourney(s, i, monotone_first=True)
        ts.append(m)
        ti.append(sel)
        if j < KTOP - 1:
            s = jnp.where(i == sel, -jnp.inf, s)
    return jnp.concatenate(ts, axis=0), jnp.concatenate(ti, axis=0)


def _extract5_pairs(s, i):
    h = s.shape[0] // 2
    s1, s2 = s[:h], s[h:]
    i1, i2 = i[:h], i[h:]
    pred = s2 > s1
    hi_s = jnp.where(pred, s2, s1)
    hi_i = jnp.where(pred, i2, i1)
    lo_s = jnp.where(pred, s1, s2)
    lo_i = jnp.where(pred, i1, i2)
    ts, ti = [], []
    for j in range(KTOP):
        m, sel = _tourney(hi_s, hi_i)
        ts.append(m)
        ti.append(sel)
        if j < KTOP - 1:
            upd = hi_i == sel
            hi_s = jnp.where(upd, lo_s, hi_s)
            hi_i = jnp.where(upd, lo_i, hi_i)
            lo_s = jnp.where(upd, -jnp.inf, lo_s)
    return ts, ti


def _topk_body(nk, q_ref, k_ref, s_out, i_out):
    b = pl.program_id(0)
    scores = lax.dot_general(
        k_ref[...], q_ref[...], (((1,), (1,)), ((), ())),
        preferred_element_type=jnp.float32,
        precision=lax.Precision.DEFAULT,
    )
    col = b * BN + lax.broadcasted_iota(jnp.int32, scores.shape, 0)
    scores = jnp.where(col < nk, scores, -jnp.inf)

    bs, bi = _extract5_pairs(scores, col)
    bs = jnp.concatenate(bs, axis=0)
    bi = jnp.concatenate(bi, axis=0)

    @pl.when(b == 0)
    def _():
        s_out[...] = bs
        i_out[...] = bi

    @pl.when(b > 0)
    def _():
        cs = jnp.concatenate([s_out[...], bs], axis=0)
        ci = jnp.concatenate([i_out[...], bi], axis=0)
        ms, mi = _extract5(cs, ci)
        s_out[...] = ms
        i_out[...] = mi


def _topk_call(queries, keys):
    nq, d = queries.shape
    nk = keys.shape[0]
    nb = pl.cdiv(nk, BN)
    return pl.pallas_call(
        functools.partial(_topk_body, nk),
        grid=(nb,),
        in_specs=[
            pl.BlockSpec((nq, d), lambda b: (0, 0)),
            pl.BlockSpec((BN, d), lambda b: (b, 0)),
        ],
        out_specs=[
            pl.BlockSpec((KTOP, nq), lambda b: (0, 0)),
            pl.BlockSpec((KTOP, nq), lambda b: (0, 0)),
        ],
        out_shape=[
            jax.ShapeDtypeStruct((KTOP, nq), jnp.float32),
            jax.ShapeDtypeStruct((KTOP, nq), jnp.int32),
        ],
    )(queries, keys)


def _gather_call(keys, flat_idx):
    n_rows = flat_idx.shape[0]
    d = keys.shape[1]
    per_w = n_rows // _NW
    chunk = per_w // 2

    mesh = plsc.VectorSubcoreMesh(core_axis_name="c", subcore_axis_name="s")

    @functools.partial(
        pl.kernel,
        mesh=mesh,
        out_type=jax.ShapeDtypeStruct((n_rows, d), jnp.float32),
        scratch_types=[
            pltpu.VMEM((2, chunk), jnp.int32),
            pltpu.VMEM((2, chunk, d), jnp.float32),
            pltpu.SemaphoreType.DMA,
        ],
    )
    def gather_kernel(keys_hbm, idx_hbm, out_hbm, idx_v, rows_v, sem):
        wid = lax.axis_index("s") * _NC + lax.axis_index("c")
        base = wid * per_w
        for j in range(2):
            pltpu.sync_copy(idx_hbm.at[pl.ds(base + j * chunk, chunk)],
                            idx_v.at[j])
            pltpu.async_copy(keys_hbm.at[idx_v.at[j]], rows_v.at[j], sem).wait()
            pltpu.sync_copy(rows_v.at[j],
                            out_hbm.at[pl.ds(base + j * chunk, chunk)])

    return gather_kernel(keys, flat_idx)


def kernel(queries, keys, k):
    nq, d = queries.shape
    s5, i5 = _topk_call(queries, keys)
    top_s = s5.T
    top_i = i5.T
    retrieved = _gather_call(keys, top_i.reshape(-1)).reshape(nq, KTOP, d)
    return (top_s, top_i, retrieved)

# --- scband reference (transcript-rebuilt; emitter-appended) ---
"""Pipeline reference for scband-rag-retreiver-49065706390300 (READ-ONLY COPY).

The authoritative reference and input builder live on the scoring server;
editing this copy changes nothing except your own understanding.
"""

import jax, jax.numpy as jnp
import numpy as np


def setup_inputs(seed: int = 0) -> dict:
    key = jax.random.key(seed)
    k1, k2 = jax.random.split(key)
    queries = jax.random.normal(k1, (1024, 768), dtype=jnp.float32)
    keys = jax.random.normal(k2, (100000, 768), dtype=jnp.float32)
    return {"queries": queries, "keys": keys, "k": 5}


def reference(queries, keys, k):
    # Dense inner-product retrieval (stand-in for the FAISS index lookup):
    # question_hidden_states @ passage_embeddings.T, take top-k docs.
    scores = queries @ keys.T  # [Q, K]
    k_static = 5
    top_scores, top_idx = jax.lax.top_k(scores, k_static)  # [Q, k]
    top_idx = top_idx + (k - k)
    # Gather retrieved_doc_embeds (docs_dict['retrieved_doc_embeds'])
    retrieved = jnp.take(keys, top_idx, axis=0)  # [Q, k, d]
    # doc_scores = bmm(q.unsqueeze(1), retrieved.transpose(1,2)).squeeze(1)
    doc_scores = jnp.einsum('qd,qkd->qk', queries, retrieved)  # [Q, k]
    return (doc_scores, top_idx, retrieved)

if __name__ == "__main__":
    import jax
    _d = setup_inputs()
    print(jax.jit(kernel)(*tuple(_d.values())))

</pallas_src>

<mosaic_0001>
#map = affine_map<(d0, d1) -> (0, 0)>
#map1 = affine_map<(d0, d1) -> (0)>
module attributes {stable_mosaic.version = 14 : i64} {
  func.func @gather_kernel(%arg0: i32, %arg1: i32, %arg2: memref<100000x768xf32, #tpu.memory_space<hbm>>, %arg3: memref<5120xi32, #tpu.memory_space<hbm>>, %arg4: memref<5120x768xf32, #tpu.memory_space<hbm>>, %arg5: memref<2x80xi32, #tpu.memory_space<vmem>>, %arg6: memref<2x80x768xf32, #tpu.memory_space<vmem>>, %arg7: memref<!tpu.dma_semaphore, #tpu.memory_space<semaphore_mem>>) attributes {dimension_semantics = [#tpu.dimension_semantics<core_parallel>, #tpu.dimension_semantics<subcore_parallel>], iteration_bounds = array<i64: 2, 16>, scalar_prefetch = 0 : i64, scratch_operands = 3 : i64, tpu.core_type = #tpu.core_type<sc_vector_subcore>, window_params = [{transform_indices = #map}, {transform_indices = #map1}, {transform_indices = #map}]} {
    %mul3A = arith.constant 2 : i32
    %mul3A_0 = arith.muli %arg1, %mul3A : i32
    %add3A = arith.addi %mul3A_0, %arg0 : i32
    %mul3A_1 = arith.constant 160 : i32
    %mul3A_2 = arith.muli %add3A, %mul3A_1 : i32
    %add3A_3 = arith.constant 0 : i32
    %add3A_4 = arith.addi %mul3A_2, %add3A_3 : i32
    %run_scoped3A = arith.constant 0 : i32
    "tpu.region"() ({
      %run_scoped3A_60 = tpu.sem_alloc : memref<!tpu.dma_semaphore, #tpu.memory_space<semaphore_mem>>
      %dma_start3A_61 = arith.constant 0 : i32
      %dma_start3A_62 = tpu.memref_slice %arg5[%run_scoped3A, %dma_start3A_61] : memref<2x80xi32, #tpu.memory_space<vmem>> -> memref<1x80xi32, #tpu.memory_space<vmem>>
      %dma_start3A_63 = tpu.memref_squeeze %dma_start3A_62 : memref<1x80xi32, #tpu.memory_space<vmem>> -> memref<80xi32, #tpu.memory_space<vmem>>
      %dma_start3A_64 = tpu.memref_slice %arg3[%add3A_4] : memref<5120xi32, #tpu.memory_space<hbm>> -> memref<80xi32, #tpu.memory_space<hbm>>
      %dma_start3A_65 = arith.constant 0 : i32
      %dma_start3A_66 = tpu.memref_slice %arg5[%run_scoped3A, %dma_start3A_65] : memref<2x80xi32, #tpu.memory_space<vmem>> -> memref<1x80xi32, #tpu.memory_space<vmem>>
      %dma_start3A_67 = tpu.memref_squeeze %dma_start3A_66 : memref<1x80xi32, #tpu.memory_space<vmem>> -> memref<80xi32, #tpu.memory_space<vmem>>
      %dma_start3A_68 = tpu.memref_slice %arg3[%add3A_4] : memref<5120xi32, #tpu.memory_space<hbm>> -> memref<80xi32, #tpu.memory_space<hbm>>
      tpu.enqueue_dma source(%dma_start3A_68 : memref<80xi32, #tpu.memory_space<hbm>>) target(%dma_start3A_67 : memref<80xi32, #tpu.memory_space<vmem>>) target_semaphore(%run_scoped3A_60 : memref<!tpu.dma_semaphore, #tpu.memory_space<semaphore_mem>>)
      %dma_wait3A_69 = arith.constant 0 : i32
      %dma_wait3A_70 = tpu.memref_slice %arg5[%run_scoped3A, %dma_wait3A_69] : memref<2x80xi32, #tpu.memory_space<vmem>> -> memref<1x80xi32, #tpu.memory_space<vmem>>
      %dma_wait3A_71 = tpu.memref_squeeze %dma_wait3A_70 : memref<1x80xi32, #tpu.memory_space<vmem>> -> memref<80xi32, #tpu.memory_space<vmem>>
      %dma_wait3A_72 = tpu.memref_slice %arg3[%add3A_4] : memref<5120xi32, #tpu.memory_space<hbm>> -> memref<80xi32, #tpu.memory_space<hbm>>
      %dma_wait3A_73 = arith.constant 0 : i32
      %dma_wait3A_74 = tpu.memref_slice %arg5[%run_scoped3A, %dma_wait3A_73] : memref<2x80xi32, #tpu.memory_space<vmem>> -> memref<1x80xi32, #tpu.memory_space<vmem>>
      %dma_wait3A_75 = tpu.memref_squeeze %dma_wait3A_74 : memref<1x80xi32, #tpu.memory_space<vmem>> -> memref<80xi32, #tpu.memory_space<vmem>>
      %dma_wait3A_76 = tpu.memref_slice %arg3[%add3A_4] : memref<5120xi32, #tpu.memory_space<hbm>> -> memref<80xi32, #tpu.memory_space<hbm>>
      tpu.wait_dma2 semaphore(%run_scoped3A_60 : memref<!tpu.dma_semaphore, #tpu.memory_space<semaphore_mem>>) src(%dma_wait3A_76 : memref<80xi32, #tpu.memory_space<hbm>>) dst(%dma_wait3A_75 : memref<80xi32, #tpu.memory_space<vmem>>)
      tpu.yield
    }) : () -> ()
    %dma_start3A = arith.constant 0 : i32
    %dma_start3A_5 = arith.constant 0 : i32
    %dma_start3A_6 = arith.constant 0 : i32
    %dma_start3A_7 = arith.constant 0 : i32
    %dma_start3A_8 = tpu.memref_slice %arg6[%dma_start3A_5, %dma_start3A_6, %dma_start3A_7] : memref<2x80x768xf32, #tpu.memory_space<vmem>> -> memref<1x80x768xf32, #tpu.memory_space<vmem>>
    %dma_start3A_9 = tpu.memref_squeeze %dma_start3A_8 : memref<1x80x768xf32, #tpu.memory_space<vmem>> -> memref<80x768xf32, #tpu.memory_space<vmem>>
    %dma_start3A_10 = arith.constant 0 : i32
    %dma_start3A_11 = tpu.memref_slice %arg5[%dma_start3A, %dma_start3A_10] : memref<2x80xi32, #tpu.memory_space<vmem>> -> memref<1x80xi32, #tpu.memory_space<vmem>>
    %dma_start3A_12 = tpu.memref_squeeze %dma_start3A_11 : memref<1x80xi32, #tpu.memory_space<vmem>> -> memref<80xi32, #tpu.memory_space<vmem>>
    %dma_start3A_13 = arith.constant 0 : i32
    %dma_start3A_14 = arith.constant 0 : i32
    %dma_start3A_15 = tpu.memref_slice %arg2[%dma_start3A_13, %dma_start3A_14] : memref<100000x768xf32, #tpu.memory_space<hbm>> -> memref<100000x768xf32, #tpu.memory_space<hbm>>
    tpu.enqueue_indirect_dma source(%dma_start3A_15 : memref<100000x768xf32, #tpu.memory_space<hbm>>) target(%dma_start3A_9 : memref<80x768xf32, #tpu.memory_space<vmem>>) offsets(%dma_start3A_12 : memref<80xi32, #tpu.memory_space<vmem>>) semaphore(%arg7 : memref<!tpu.dma_semaphore, #tpu.memory_space<semaphore_mem>>)
    %dma_wait3A = arith.constant 0 : i32
    %dma_wait3A_16 = arith.constant 0 : i32
    %dma_wait3A_17 = arith.constant 0 : i32
    %dma_wait3A_18 = arith.constant 0 : i32
    %dma_wait3A_19 = tpu.memref_slice %arg6[%dma_wait3A_16, %dma_wait3A_17, %dma_wait3A_18] : memref<2x80x768xf32, #tpu.memory_space<vmem>> -> memref<1x80x768xf32, #tpu.memory_space<vmem>>
    %dma_wait3A_20 = tpu.memref_squeeze %dma_wait3A_19 : memref<1x80x768xf32, #tpu.memory_space<vmem>> -> memref<80x768xf32, #tpu.memory_space<vmem>>
    %dma_wait3A_21 = arith.constant 0 : i32
    %dma_wait3A_22 = tpu.memref_slice %arg5[%dma_wait3A, %dma_wait3A_21] : memref<2x80xi32, #tpu.memory_space<vmem>> -> memref<1x80xi32, #tpu.memory_space<vmem>>
    %dma_wait3A_23 = tpu.memref_squeeze %dma_wait3A_22 : memref<1x80xi32, #tpu.memory_space<vmem>> -> memref<80xi32, #tpu.memory_space<vmem>>
    %dma_wait3A_24 = arith.constant 0 : i32
    %dma_wait3A_25 = arith.constant 0 : i32
    %dma_wait3A_26 = tpu.memref_slice %arg2[%dma_wait3A_24, %dma_wait3A_25] : memref<100000x768xf32, #tpu.memory_space<hbm>> -> memref<100000x768xf32, #tpu.memory_space<hbm>>
    tpu.wait_indirect_dma semaphore(%arg7 : memref<!tpu.dma_semaphore, #tpu.memory_space<semaphore_mem>>) src(%dma_wait3A_26 : memref<100000x768xf32, #tpu.memory_space<hbm>>) dst(%dma_wait3A_20 : memref<80x768xf32, #tpu.memory_space<vmem>>)
    %add3A_27 = arith.constant 0 : i32
    %add3A_28 = arith.addi %mul3A_2, %add3A_27 : i32
    %run_scoped3A_29 = arith.constant 0 : i32
    "tpu.region"() ({
      %run_scoped3A_60 = tpu.sem_alloc : memref<!tpu.dma_semaphore, #tpu.memory_space<semaphore_mem>>
      %dma_start3A_61 = arith.constant 0 : i32
      %dma_start3A_62 = arith.constant 0 : i32
      %dma_start3A_63 = tpu.memref_slice %arg6[%run_scoped3A_29, %dma_start3A_61, %dma_start3A_62] : memref<2x80x768xf32, #tpu.memory_space<vmem>> -> memref<1x80x768xf32, #tpu.memory_space<vmem>>
      %dma_start3A_64 = tpu.memref_squeeze %dma_start3A_63 : memref<1x80x768xf32, #tpu.memory_space<vmem>> -> memref<80x768xf32, #tpu.memory_space<vmem>>
      %dma_start3A_65 = arith.constant 0 : i32
      %dma_start3A_66 = tpu.memref_slice %arg4[%add3A_28, %dma_start3A_65] : memref<5120x768xf32, #tpu.memory_space<hbm>> -> memref<80x768xf32, #tpu.memory_space<hbm>>
      %dma_start3A_67 = arith.constant 0 : i32
      %dma_start3A_68 = tpu.memref_slice %arg4[%add3A_28, %dma_start3A_67] : memref<5120x768xf32, #tpu.memory_space<hbm>> -> memref<80x768xf32, #tpu.memory_space<hbm>>
      %dma_start3A_69 = arith.constant 0 : i32
      %dma_start3A_70 = arith.constant 0 : i32
      %dma_start3A_71 = tpu.memref_slice %arg6[%run_scoped3A_29, %dma_start3A_69, %dma_start3A_70] : memref<2x80x768xf32, #tpu.memory_space<vmem>> -> memref<1x80x768xf32, #tpu.memory_space<vmem>>
      %dma_start3A_72 = tpu.memref_squeeze %dma_start3A_71 : memref<1x80x768xf32, #tpu.memory_space<vmem>> -> memref<80x768xf32, #tpu.memory_space<vmem>>
      tpu.enqueue_dma source(%dma_start3A_72 : memref<80x768xf32, #tpu.memory_space<vmem>>) target(%dma_start3A_68 : memref<80x768xf32, #tpu.memory_space<hbm>>) target_semaphore(%run_scoped3A_60 : memref<!tpu.dma_semaphore, #tpu.memory_space<semaphore_mem>>)
      %dma_wait3A_73 = arith.constant 0 : i32
      %dma_wait3A_74 = arith.constant 0 : i32
      %dma_wait3A_75 = tpu.memref_slice %arg6[%run_scoped3A_29, %dma_wait3A_73, %dma_wait3A_74] : memref<2x80x768xf32, #tpu.memory_space<vmem>> -> memref<1x80x768xf32, #tpu.memory_space<vmem>>
      %dma_wait3A_76 = tpu.memref_squeeze %dma_wait3A_75 : memref<1x80x768xf32, #tpu.memory_space<vmem>> -> memref<80x768xf32, #tpu.memory_space<vmem>>
      %dma_wait3A_77 = arith.constant 0 : i32
      %dma_wait3A_78 = tpu.memref_slice %arg4[%add3A_28, %dma_wait3A_77] : memref<5120x768xf32, #tpu.memory_space<hbm>> -> memref<80x768xf32, #tpu.memory_space<hbm>>
      %dma_wait3A_79 = arith.constant 0 : i32
      %dma_wait3A_80 = tpu.memref_slice %arg4[%add3A_28, %dma_wait3A_79] : memref<5120x768xf32, #tpu.memory_space<hbm>> -> memref<80x768xf32, #tpu.memory_space<hbm>>
      %dma_wait3A_81 = arith.constant 0 : i32
      %dma_wait3A_82 = arith.constant 0 : i32
      %dma_wait3A_83 = tpu.memref_slice %arg6[%run_scoped3A_29, %dma_wait3A_81, %dma_wait3A_82] : memref<2x80x768xf32, #tpu.memory_space<vmem>> -> memref<1x80x768xf32, #tpu.memory_space<vmem>>
      %dma_wait3A_84 = tpu.memref_squeeze %dma_wait3A_83 : memref<1x80x768xf32, #tpu.memory_space<vmem>> -> memref<80x768xf32, #tpu.memory_space<vmem>>
      tpu.wait_dma2 semaphore(%run_scoped3A_60 : memref<!tpu.dma_semaphore, #tpu.memory_space<semaphore_mem>>) src(%dma_wait3A_84 : memref<80x768xf32, #tpu.memory_space<vmem>>) dst(%dma_wait3A_80 : memref<80x768xf32, #tpu.memory_space<hbm>>)
      tpu.yield
    }) : () -> ()
    %add3A_30 = arith.constant 80 : i32
    %add3A_31 = arith.addi %mul3A_2, %add3A_30 : i32
    %run_scoped3A_32 = arith.constant 1 : i32
    "tpu.region"() ({
      %run_scoped3A_60 = tpu.sem_alloc : memref<!tpu.dma_semaphore, #tpu.memory_space<semaphore_mem>>
      %dma_start3A_61 = arith.constant 0 : i32
      %dma_start3A_62 = tpu.memref_slice %arg5[%run_scoped3A_32, %dma_start3A_61] : memref<2x80xi32, #tpu.memory_space<vmem>> -> memref<1x80xi32, #tpu.memory_space<vmem>>
      %dma_start3A_63 = tpu.memref_squeeze %dma_start3A_62 : memref<1x80xi32, #tpu.memory_space<vmem>> -> memref<80xi32, #tpu.memory_space<vmem>>
      %dma_start3A_64 = tpu.memref_slice %arg3[%add3A_31] : memref<5120xi32, #tpu.memory_space<hbm>> -> memref<80xi32, #tpu.memory_space<hbm>>
      %dma_start3A_65 = arith.constant 0 : i32
      %dma_start3A_66 = tpu.memref_slice %arg5[%run_scoped3A_32, %dma_start3A_65] : memref<2x80xi32, #tpu.memory_space<vmem>> -> memref<1x80xi32, #tpu.memory_space<vmem>>
      %dma_start3A_67 = tpu.memref_squeeze %dma_start3A_66 : memref<1x80xi32, #tpu.memory_space<vmem>> -> memref<80xi32, #tpu.memory_space<vmem>>
      %dma_start3A_68 = tpu.memref_slice %arg3[%add3A_31] : memref<5120xi32, #tpu.memory_space<hbm>> -> memref<80xi32, #tpu.memory_space<hbm>>
      tpu.enqueue_dma source(%dma_start3A_68 : memref<80xi32, #tpu.memory_space<hbm>>) target(%dma_start3A_67 : memref<80xi32, #tpu.memory_space<vmem>>) target_semaphore(%run_scoped3A_60 : memref<!tpu.dma_semaphore, #tpu.memory_space<semaphore_mem>>)
      %dma_wait3A_69 = arith.constant 0 : i32
      %dma_wait3A_70 = tpu.memref_slice %arg5[%run_scoped3A_32, %dma_wait3A_69] : memref<2x80xi32, #tpu.memory_space<vmem>> -> memref<1x80xi32, #tpu.memory_space<vmem>>
      %dma_wait3A_71 = tpu.memref_squeeze %dma_wait3A_70 : memref<1x80xi32, #tpu.memory_space<vmem>> -> memref<80xi32, #tpu.memory_space<vmem>>
      %dma_wait3A_72 = tpu.memref_slice %arg3[%add3A_31] : memref<5120xi32, #tpu.memory_space<hbm>> -> memref<80xi32, #tpu.memory_space<hbm>>
      %dma_wait3A_73 = arith.constant 0 : i32
      %dma_wait3A_74 = tpu.memref_slice %arg5[%run_scoped3A_32, %dma_wait3A_73] : memref<2x80xi32, #tpu.memory_space<vmem>> -> memref<1x80xi32, #tpu.memory_space<vmem>>
      %dma_wait3A_75 = tpu.memref_squeeze %dma_wait3A_74 : memref<1x80xi32, #tpu.memory_space<vmem>> -> memref<80xi32, #tpu.memory_space<vmem>>
      %dma_wait3A_76 = tpu.memref_slice %arg3[%add3A_31] : memref<5120xi32, #tpu.memory_space<hbm>> -> memref<80xi32, #tpu.memory_space<hbm>>
      tpu.wait_dma2 semaphore(%run_scoped3A_60 : memref<!tpu.dma_semaphore, #tpu.memory_space<semaphore_mem>>) src(%dma_wait3A_76 : memref<80xi32, #tpu.memory_space<hbm>>) dst(%dma_wait3A_75 : memref<80xi32, #tpu.memory_space<vmem>>)
      tpu.yield
    }) : () -> ()
    %dma_start3A_33 = arith.constant 1 : i32
    %dma_start3A_34 = arith.constant 1 : i32
    %dma_start3A_35 = arith.constant 0 : i32
    %dma_start3A_36 = arith.constant 0 : i32
    %dma_start3A_37 = tpu.memref_slice %arg6[%dma_start3A_34, %dma_start3A_35, %dma_start3A_36] : memref<2x80x768xf32, #tpu.memory_space<vmem>> -> memref<1x80x768xf32, #tpu.memory_space<vmem>>
    %dma_start3A_38 = tpu.memref_squeeze %dma_start3A_37 : memref<1x80x768xf32, #tpu.memory_space<vmem>> -> memref<80x768xf32, #tpu.memory_space<vmem>>
    %dma_start3A_39 = arith.constant 0 : i32
    %dma_start3A_40 = tpu.memref_slice %arg5[%dma_start3A_33, %dma_start3A_39] : memref<2x80xi32, #tpu.memory_space<vmem>> -> memref<1x80xi32, #tpu.memory_space<vmem>>
    %dma_start3A_41 = tpu.memref_squeeze %dma_start3A_40 : memref<1x80xi32, #tpu.memory_space<vmem>> -> memref<80xi32, #tpu.memory_space<vmem>>
    %dma_start3A_42 = arith.constant 0 : i32
    %dma_start3A_43 = arith.constant 0 : i32
    %dma_start3A_44 = tpu.memref_slice %arg2[%dma_start3A_42, %dma_start3A_43] : memref<100000x768xf32, #tpu.memory_space<hbm>> -> memref<100000x768xf32, #tpu.memory_space<hbm>>
    tpu.enqueue_indirect_dma source(%dma_start3A_44 : memref<100000x768xf32, #tpu.memory_space<hbm>>) target(%dma_start3A_38 : memref<80x768xf32, #tpu.memory_space<vmem>>) offsets(%dma_start3A_41 : memref<80xi32, #tpu.memory_space<vmem>>) semaphore(%arg7 : memref<!tpu.dma_semaphore, #tpu.memory_space<semaphore_mem>>)
    %dma_wait3A_45 = arith.constant 1 : i32
    %dma_wait3A_46 = arith.constant 1 : i32
    %dma_wait3A_47 = arith.constant 0 : i32
    %dma_wait3A_48 = arith.constant 0 : i32
    %dma_wait3A_49 = tpu.memref_slice %arg6[%dma_wait3A_46, %dma_wait3A_47, %dma_wait3A_48] : memref<2x80x768xf32, #tpu.memory_space<vmem>> -> memref<1x80x768xf32, #tpu.memory_space<vmem>>
    %dma_wait3A_50 = tpu.memref_squeeze %dma_wait3A_49 : memref<1x80x768xf32, #tpu.memory_space<vmem>> -> memref<80x768xf32, #tpu.memory_space<vmem>>
    %dma_wait3A_51 = arith.constant 0 : i32
    %dma_wait3A_52 = tpu.memref_slice %arg5[%dma_wait3A_45, %dma_wait3A_51] : memref<2x80xi32, #tpu.memory_space<vmem>> -> memref<1x80xi32, #tpu.memory_space<vmem>>
    %dma_wait3A_53 = tpu.memref_squeeze %dma_wait3A_52 : memref<1x80xi32, #tpu.memory_space<vmem>> -> memref<80xi32, #tpu.memory_space<vmem>>
    %dma_wait3A_54 = arith.constant 0 : i32
    %dma_wait3A_55 = arith.constant 0 : i32
    %dma_wait3A_56 = tpu.memref_slice %arg2[%dma_wait3A_54, %dma_wait3A_55] : memref<100000x768xf32, #tpu.memory_space<hbm>> -> memref<100000x768xf32, #tpu.memory_space<hbm>>
    tpu.wait_indirect_dma semaphore(%arg7 : memref<!tpu.dma_semaphore, #tpu.memory_space<semaphore_mem>>) src(%dma_wait3A_56 : memref<100000x768xf32, #tpu.memory_space<hbm>>) dst(%dma_wait3A_50 : memref<80x768xf32, #tpu.memory_space<vmem>>)
    %add3A_57 = arith.constant 80 : i32
    %add3A_58 = arith.addi %mul3A_2, %add3A_57 : i32
    %run_scoped3A_59 = arith.constant 1 : i32
    "tpu.region"() ({
      %run_scoped3A_60 = tpu.sem_alloc : memref<!tpu.dma_semaphore, #tpu.memory_space<semaphore_mem>>
      %dma_start3A_61 = arith.constant 0 : i32
      %dma_start3A_62 = arith.constant 0 : i32
      %dma_start3A_63 = tpu.memref_slice %arg6[%run_scoped3A_59, %dma_start3A_61, %dma_start3A_62] : memref<2x80x768xf32, #tpu.memory_space<vmem>> -> memref<1x80x768xf32, #tpu.memory_space<vmem>>
      %dma_start3A_64 = tpu.memref_squeeze %dma_start3A_63 : memref<1x80x768xf32, #tpu.memory_space<vmem>> -> memref<80x768xf32, #tpu.memory_space<vmem>>
      %dma_start3A_65 = arith.constant 0 : i32
      %dma_start3A_66 = tpu.memref_slice %arg4[%add3A_58, %dma_start3A_65] : memref<5120x768xf32, #tpu.memory_space<hbm>> -> memref<80x768xf32, #tpu.memory_space<hbm>>
      %dma_start3A_67 = arith.constant 0 : i32
      %dma_start3A_68 = tpu.memref_slice %arg4[%add3A_58, %dma_start3A_67] : memref<5120x768xf32, #tpu.memory_space<hbm>> -> memref<80x768xf32, #tpu.memory_space<hbm>>
      %dma_start3A_69 = arith.constant 0 : i32
      %dma_start3A_70 = arith.constant 0 : i32
      %dma_start3A_71 = tpu.memref_slice %arg6[%run_scoped3A_59, %dma_start3A_69, %dma_start3A_70] : memref<2x80x768xf32, #tpu.memory_space<vmem>> -> memref<1x80x768xf32, #tpu.memory_space<vmem>>
      %dma_start3A_72 = tpu.memref_squeeze %dma_start3A_71 : memref<1x80x768xf32, #tpu.memory_space<vmem>> -> memref<80x768xf32, #tpu.memory_space<vmem>>
      tpu.enqueue_dma source(%dma_start3A_72 : memref<80x768xf32, #tpu.memory_space<vmem>>) target(%dma_start3A_68 : memref<80x768xf32, #tpu.memory_space<hbm>>) target_semaphore(%run_scoped3A_60 : memref<!tpu.dma_semaphore, #tpu.memory_space<semaphore_mem>>)
      %dma_wait3A_73 = arith.constant 0 : i32
      %dma_wait3A_74 = arith.constant 0 : i32
      %dma_wait3A_75 = tpu.memref_slice %arg6[%run_scoped3A_59, %dma_wait3A_73, %dma_wait3A_74] : memref<2x80x768xf32, #tpu.memory_space<vmem>> -> memref<1x80x768xf32, #tpu.memory_space<vmem>>
      %dma_wait3A_76 = tpu.memref_squeeze %dma_wait3A_75 : memref<1x80x768xf32, #tpu.memory_space<vmem>> -> memref<80x768xf32, #tpu.memory_space<vmem>>
      %dma_wait3A_77 = arith.constant 0 : i32
      %dma_wait3A_78 = tpu.memref_slice %arg4[%add3A_58, %dma_wait3A_77] : memref<5120x768xf32, #tpu.memory_space<hbm>> -> memref<80x768xf32, #tpu.memory_space<hbm>>
      %dma_wait3A_79 = arith.constant 0 : i32
      %dma_wait3A_80 = tpu.memref_slice %arg4[%add3A_58, %dma_wait3A_79] : memref<5120x768xf32, #tpu.memory_space<hbm>> -> memref<80x768xf32, #tpu.memory_space<hbm>>
      %dma_wait3A_81 = arith.constant 0 : i32
      %dma_wait3A_82 = arith.constant 0 : i32
      %dma_wait3A_83 = tpu.memref_slice %arg6[%run_scoped3A_59, %dma_wait3A_81, %dma_wait3A_82] : memref<2x80x768xf32, #tpu.memory_space<vmem>> -> memref<1x80x768xf32, #tpu.memory_space<vmem>>
      %dma_wait3A_84 = tpu.memref_squeeze %dma_wait3A_83 : memref<1x80x768xf32, #tpu.memory_space<vmem>> -> memref<80x768xf32, #tpu.memory_space<vmem>>
      tpu.wait_dma2 semaphore(%run_scoped3A_60 : memref<!tpu.dma_semaphore, #tpu.memory_space<semaphore_mem>>) src(%dma_wait3A_84 : memref<80x768xf32, #tpu.memory_space<vmem>>) dst(%dma_wait3A_80 : memref<80x768xf32, #tpu.memory_space<hbm>>)
      tpu.yield
    }) : () -> ()
    return
  }
}

module attributes {stable_mosaic.version = 14 : i64} {
  func.func @_topk_body(%arg0: i32, %arg1: memref<1024x768xf32, #tpu.memory_space<vmem>>, %arg2: memref<512x768xf32, #tpu.memory_space<vmem>>, %arg3: memref<5x1024xf32, #tpu.memory_space<vmem>>, %arg4: memref<5x1024xi32, #tpu.memory_space<vmem>>) attributes {dimension_semantics = [#tpu.dimension_semantics<arbitrary>], iteration_bounds = array<i64: 196>, scalar_prefetch = 0 : i64, scratch_operands = 0 : i64, tpu.core_type = #tpu.core_type<tc>, window_params = [{pipeline_mode = #tpu.pipeline_mode<synchronous>, transform_indices = @transform_0, window_bounds = array<i64: 1024, 768>}, {transform_indices = @transform_1, window_bounds = array<i64: 512, 768>}, {pipeline_mode = #tpu.pipeline_mode<synchronous>, transform_indices = @transform_2, window_bounds = array<i64: 5, 1024>}, {pipeline_mode = #tpu.pipeline_mode<synchronous>, transform_indices = @transform_3, window_bounds = array<i64: 5, 1024>}]} {
    %get3A = arith.constant 0 : index
    %get3A_0 = arith.constant 0 : index
    %get3A_1 = vector.load %arg2[%get3A, %get3A_0] : memref<512x768xf32, #tpu.memory_space<vmem>>, vector<512x768xf32>
    %get3A_2 = arith.constant 0 : index
    %get3A_3 = arith.constant 0 : index
    %get3A_4 = vector.load %arg1[%get3A_2, %get3A_3] : memref<1024x768xf32, #tpu.memory_space<vmem>>, vector<1024x768xf32>
    %dot_general3A = arith.constant dense<0.000000e+00> : vector<512x1024xf32>
    %dot_general3A_5 = tpu.matmul %get3A_1, %get3A_4, %dot_general3A {dimension_numbers = #tpu.dot_dimension_numbers<[1], [1], [0], [0], [0, 0, 1, 0], [], []>, transpose_lhs_hint = false} : vector<512x768xf32>, vector<1024x768xf32>, vector<512x1024xf32> -> vector<512x1024xf32>
    %mul3A = arith.constant 512 : i32
    %mul3A_6 = arith.muli %arg0, %mul3A : i32
    %iota3A = tpu.iota {dimensions = array<i32: 0>} : vector<512x1024xi32>
    %add3A = vector.broadcast %mul3A_6 : i32 to vector<512x1024xi32>
    %add3A_7 = arith.addi %add3A, %iota3A : vector<512x1024xi32>
    %lt3A = arith.constant 100000 : i32
    %lt3A_8 = vector.broadcast %lt3A : i32 to vector<512x1024xi32>
    %lt3A_9 = arith.cmpi slt, %add3A_7, %lt3A_8 : vector<512x1024xi32>
    %jit3A = arith.constant 0xFF800000 : f32
    %broadcast_in_dim3A = vector.broadcast %jit3A : f32 to vector<512x1024xf32>
    %select_n3A = arith.select %lt3A_9, %dot_general3A_5, %broadcast_in_dim3A : vector<512x1024xi1>, vector<512x1024xf32>
    %slice3A = vector.extract_strided_slice %select_n3A {offsets = [0, 0], sizes = [256, 1024], strides = [1, 1]} : vector<512x1024xf32> to vector<256x1024xf32>
    %slice3A_10 = vector.extract_strided_slice %select_n3A {offsets = [256, 0], sizes = [256, 1024], strides = [1, 1]} : vector<512x1024xf32> to vector<256x1024xf32>
    %slice3A_11 = vector.extract_strided_slice %add3A_7 {offsets = [0, 0], sizes = [256, 1024], strides = [1, 1]} : vector<512x1024xi32> to vector<256x1024xi32>
    %slice3A_12 = vector.extract_strided_slice %add3A_7 {offsets = [256, 0], sizes = [256, 1024], strides = [1, 1]} : vector<512x1024xi32> to vector<256x1024xi32>
    %gt3A = arith.cmpf ogt, %slice3A_10, %slice3A : vector<256x1024xf32>
    %select_n3A_13 = arith.select %gt3A, %slice3A_10, %slice3A : vector<256x1024xi1>, vector<256x1024xf32>
    %select_n3A_14 = arith.select %gt3A, %slice3A_12, %slice3A_11 : vector<256x1024xi1>, vector<256x1024xi32>
    %select_n3A_15 = arith.select %gt3A, %slice3A, %slice3A_10 : vector<256x1024xi1>, vector<256x1024xf32>
    %select_n3A_16 = arith.select %gt3A, %slice3A_11, %slice3A_12 : vector<256x1024xi1>, vector<256x1024xi32>
    %slice3A_17 = vector.extract_strided_slice %select_n3A_13 {offsets = [0, 0], sizes = [128, 1024], strides = [1, 1]} : vector<256x1024xf32> to vector<128x1024xf32>
    %slice3A_18 = vector.extract_strided_slice %select_n3A_13 {offsets = [128, 0], sizes = [128, 1024], strides = [1, 1]} : vector<256x1024xf32> to vector<128x1024xf32>
    %slice3A_19 = vector.extract_strided_slice %select_n3A_14 {offsets = [0, 0], sizes = [128, 1024], strides = [1, 1]} : vector<256x1024xi32> to vector<128x1024xi32>
    %slice3A_20 = vector.extract_strided_slice %select_n3A_14 {offsets = [128, 0], sizes = [128, 1024], strides = [1, 1]} : vector<256x1024xi32> to vector<128x1024xi32>
    %gt3A_21 = arith.cmpf ogt, %slice3A_18, %slice3A_17 : vector<128x1024xf32>
    %eq3A = arith.cmpf oeq, %slice3A_18, %slice3A_17 : vector<128x1024xf32>
    %lt3A_22 = arith.cmpi slt, %slice3A_20, %slice3A_19 : vector<128x1024xi32>
    %and3A = arith.andi %eq3A, %lt3A_22 : vector<128x1024xi1>
    %or3A = arith.ori %gt3A_21, %and3A : vector<128x1024xi1>
    %select_n3A_23 = arith.select %or3A, %slice3A_18, %slice3A_17 : vector<128x1024xi1>, vector<128x1024xf32>
    %select_n3A_24 = arith.select %or3A, %slice3A_20, %slice3A_19 : vector<128x1024xi1>, vector<128x1024xi32>
    %slice3A_25 = vector.extract_strided_slice %select_n3A_23 {offsets = [0, 0], sizes = [64, 1024], strides = [1, 1]} : vector<128x1024xf32> to vector<64x1024xf32>
    %slice3A_26 = vector.extract_strided_slice %select_n3A_23 {offsets = [64, 0], sizes = [64, 1024], strides = [1, 1]} : vector<128x1024xf32> to vector<64x1024xf32>
    %slice3A_27 = vector.extract_strided_slice %select_n3A_24 {offsets = [0, 0], sizes = [64, 1024], strides = [1, 1]} : vector<128x1024xi32> to vector<64x1024xi32>
    %slice3A_28 = vector.extract_strided_slice %select_n3A_24 {offsets = [64, 0], sizes = [64, 1024], strides = [1, 1]} : vector<128x1024xi32> to vector<64x1024xi32>
    %gt3A_29 = arith.cmpf ogt, %slice3A_26, %slice3A_25 : vector<64x1024xf32>
    %eq3A_30 = arith.cmpf oeq, %slice3A_26, %slice3A_25 : vector<64x1024xf32>
    %lt3A_31 = arith.cmpi slt, %slice3A_28, %slice3A_27 : vector<64x1024xi32>
    %and3A_32 = arith.andi %eq3A_30, %lt3A_31 : vector<64x1024xi1>
    %or3A_33 = arith.ori %gt3A_29, %and3A_32 : vector<64x1024xi1>
    %select_n3A_34 = arith.select %or3A_33, %slice3A_26, %slice3A_25 : vector<64x1024xi1>, vector<64x1024xf32>
    %select_n3A_35 = arith.select %or3A_33, %slice3A_28, %slice3A_27 : vector<64x1024xi1>, vector<64x1024xi32>
    %slice3A_36 = vector.extract_strided_slice %select_n3A_34 {offsets = [0, 0], sizes = [32, 1024], strides = [1, 1]} : vector<64x1024xf32> to vector<32x1024xf32>
    %slice3A_37 = vector.extract_strided_slice %select_n3A_34 {offsets = [32, 0], sizes = [32, 1024], strides = [1, 1]} : vector<64x1024xf32> to vector<32x1024xf32>
    %slice3A_38 = vector.extract_strided_slice %select_n3A_35 {offsets = [0, 0], sizes = [32, 1024], strides = [1, 1]} : vector<64x1024xi32> to vector<32x1024xi32>
    %slice3A_39 = vector.extract_strided_slice %select_n3A_35 {offsets = [32, 0], sizes = [32, 1024], strides = [1, 1]} : vector<64x1024xi32> to vector<32x1024xi32>
    %gt3A_40 = arith.cmpf ogt, %slice3A_37, %slice3A_36 : vector<32x1024xf32>
    %eq3A_41 = arith.cmpf oeq, %slice3A_37, %slice3A_36 : vector<32x1024xf32>
    %lt3A_42 = arith.cmpi slt, %slice3A_39, %slice3A_38 : vector<32x1024xi32>
    %and3A_43 = arith.andi %eq3A_41, %lt3A_42 : vector<32x1024xi1>
    %or3A_44 = arith.ori %gt3A_40, %and3A_43 : vector<32x1024xi1>
    %select_n3A_45 = arith.select %or3A_44, %slice3A_37, %slice3A_36 : vector<32x1024xi1>, vector<32x1024xf32>
    %select_n3A_46 = arith.select %or3A_44, %slice3A_39, %slice3A_38 : vector<32x1024xi1>, vector<32x1024xi32>
    %slice3A_47 = vector.extract_strided_slice %select_n3A_45 {offsets = [0, 0], sizes = [16, 1024], strides = [1, 1]} : vector<32x1024xf32> to vector<16x1024xf32>
    %slice3A_48 = vector.extract_strided_slice %select_n3A_45 {offsets = [16, 0], sizes = [16, 1024], strides = [1, 1]} : vector<32x1024xf32> to vector<16x1024xf32>
    %slice3A_49 = vector.extract_strided_slice %select_n3A_46 {offsets = [0, 0], sizes = [16, 1024], strides = [1, 1]} : vector<32x1024xi32> to vector<16x1024xi32>
    %slice3A_50 = vector.extract_strided_slice %select_n3A_46 {offsets = [16, 0], sizes = [16, 1024], strides = [1, 1]} : vector<32x1024xi32> to vector<16x1024xi32>
    %gt3A_51 = arith.cmpf ogt, %slice3A_48, %slice3A_47 : vector<16x1024xf32>
    %eq3A_52 = arith.cmpf oeq, %slice3A_48, %slice3A_47 : vector<16x1024xf32>
    %lt3A_53 = arith.cmpi slt, %slice3A_50, %slice3A_49 : vector<16x1024xi32>
    %and3A_54 = arith.andi %eq3A_52, %lt3A_53 : vector<16x1024xi1>
    %or3A_55 = arith.ori %gt3A_51, %and3A_54 : vector<16x1024xi1>
    %select_n3A_56 = arith.select %or3A_55, %slice3A_48, %slice3A_47 : vector<16x1024xi1>, vector<16x1024xf32>
    %select_n3A_57 = arith.select %or3A_55, %slice3A_50, %slice3A_49 : vector<16x1024xi1>, vector<16x1024xi32>
    %slice3A_58 = vector.extract_strided_slice %select_n3A_56 {offsets = [0, 0], sizes = [8, 1024], strides = [1, 1]} : vector<16x1024xf32> to vector<8x1024xf32>
    %slice3A_59 = vector.extract_strided_slice %select_n3A_56 {offsets = [8, 0], sizes = [8, 1024], strides = [1, 1]} : vector<16x1024xf32> to vector<8x1024xf32>
    %slice3A_60 = vector.extract_strided_slice %select_n3A_57 {offsets = [0, 0], sizes = [8, 1024], strides = [1, 1]} : vector<16x1024xi32> to vector<8x1024xi32>
    %slice3A_61 = vector.extract_strided_slice %select_n3A_57 {offsets = [8, 0], sizes = [8, 1024], strides = [1, 1]} : vector<16x1024xi32> to vector<8x1024xi32>
    %gt3A_62 = arith.cmpf ogt, %slice3A_59, %slice3A_58 : vector<8x1024xf32>
    %eq3A_63 = arith.cmpf oeq, %slice3A_59, %slice3A_58 : vector<8x1024xf32>
    %lt3A_64 = arith.cmpi slt, %slice3A_61, %slice3A_60 : vector<8x1024xi32>
    %and3A_65 = arith.andi %eq3A_63, %lt3A_64 : vector<8x1024xi1>
    %or3A_66 = arith.ori %gt3A_62, %and3A_65 : vector<8x1024xi1>
    %select_n3A_67 = arith.select %or3A_66, %slice3A_59, %slice3A_58 : vector<8x1024xi1>, vector<8x1024xf32>
    %select_n3A_68 = arith.select %or3A_66, %slice3A_61, %slice3A_60 : vector<8x1024xi1>, vector<8x1024xi32>
    %slice3A_69 = vector.extract_strided_slice %select_n3A_67 {offsets = [0, 0], sizes = [4, 1024], strides = [1, 1]} : vector<8x1024xf32> to vector<4x1024xf32>
    %slice3A_70 = vector.extract_strided_slice %select_n3A_67 {offsets = [4, 0], sizes = [4, 1024], strides = [1, 1]} : vector<8x1024xf32> to vector<4x1024xf32>
    %slice3A_71 = vector.extract_strided_slice %select_n3A_68 {offsets = [0, 0], sizes = [4, 1024], strides = [1, 1]} : vector<8x1024xi32> to vector<4x1024xi32>
    %slice3A_72 = vector.extract_strided_slice %select_n3A_68 {offsets = [4, 0], sizes = [4, 1024], strides = [1, 1]} : vector<8x1024xi32> to vector<4x1024xi32>
    %gt3A_73 = arith.cmpf ogt, %slice3A_70, %slice3A_69 : vector<4x1024xf32>
    %eq3A_74 = arith.cmpf oeq, %slice3A_70, %slice3A_69 : vector<4x1024xf32>
    %lt3A_75 = arith.cmpi slt, %slice3A_72, %slice3A_71 : vector<4x1024xi32>
    %and3A_76 = arith.andi %eq3A_74, %lt3A_75 : vector<4x1024xi1>
    %or3A_77 = arith.ori %gt3A_73, %and3A_76 : vector<4x1024xi1>
    %select_n3A_78 = arith.select %or3A_77, %slice3A_70, %slice3A_69 : vector<4x1024xi1>, vector<4x1024xf32>
    %select_n3A_79 = arith.select %or3A_77, %slice3A_72, %slice3A_71 : vector<4x1024xi1>, vector<4x1024xi32>
    %slice3A_80 = vector.extract_strided_slice %select_n3A_78 {offsets = [0, 0], sizes = [2, 1024], strides = [1, 1]} : vector<4x1024xf32> to vector<2x1024xf32>
    %slice3A_81 = vector.extract_strided_slice %select_n3A_78 {offsets = [2, 0], sizes = [2, 1024], strides = [1, 1]} : vector<4x1024xf32> to vector<2x1024xf32>
    %slice3A_82 = vector.extract_strided_slice %select_n3A_79 {offsets = [0, 0], sizes = [2, 1024], strides = [1, 1]} : vector<4x1024xi32> to vector<2x1024xi32>
    %slice3A_83 = vector.extract_strided_slice %select_n3A_79 {offsets = [2, 0], sizes = [2, 1024], strides = [1, 1]} : vector<4x1024xi32> to vector<2x1024xi32>
    %gt3A_84 = arith.cmpf ogt, %slice3A_81, %slice3A_80 : vector<2x1024xf32>
    %eq3A_85 = arith.cmpf oeq, %slice3A_81, %slice3A_80 : vector<2x1024xf32>
    %lt3A_86 = arith.cmpi slt, %slice3A_83, %slice3A_82 : vector<2x1024xi32>
    %and3A_87 = arith.andi %eq3A_85, %lt3A_86 : vector<2x1024xi1>
    %or3A_88 = arith.ori %gt3A_84, %and3A_87 : vector<2x1024xi1>
    %select_n3A_89 = arith.select %or3A_88, %slice3A_81, %slice3A_80 : vector<2x1024xi1>, vector<2x1024xf32>
    %select_n3A_90 = arith.select %or3A_88, %slice3A_83, %slice3A_82 : vector<2x1024xi1>, vector<2x1024xi32>
    %slice3A_91 = vector.extract_strided_slice %select_n3A_89 {offsets = [0, 0], sizes = [1, 1024], strides = [1, 1]} : vector<2x1024xf32> to vector<1x1024xf32>
    %slice3A_92 = vector.extract_strided_slice %select_n3A_89 {offsets = [1, 0], sizes = [1, 1024], strides = [1, 1]} : vector<2x1024xf32> to vector<1x1024xf32>
    %slice3A_93 = vector.extract_strided_slice %select_n3A_90 {offsets = [0, 0], sizes = [1, 1024], strides = [1, 1]} : vector<2x1024xi32> to vector<1x1024xi32>
    %slice3A_94 = vector.extract_strided_slice %select_n3A_90 {offsets = [1, 0], sizes = [1, 1024], strides = [1, 1]} : vector<2x1024xi32> to vector<1x1024xi32>
    %gt3A_95 = arith.cmpf ogt, %slice3A_92, %slice3A_91 : vector<1x1024xf32>
    %eq3A_96 = arith.cmpf oeq, %slice3A_92, %slice3A_91 : vector<1x1024xf32>
    %lt3A_97 = arith.cmpi slt, %slice3A_94, %slice3A_93 : vector<1x1024xi32>
    %and3A_98 = arith.andi %eq3A_96, %lt3A_97 : vector<1x1024xi1>
    %or3A_99 = arith.ori %gt3A_95, %and3A_98 : vector<1x1024xi1>
    %select_n3A_100 = arith.select %or3A_99, %slice3A_92, %slice3A_91 : vector<1x1024xi1>, vector<1x1024xf32>
    %select_n3A_101 = arith.select %or3A_99, %slice3A_94, %slice3A_93 : vector<1x1024xi1>, vector<1x1024xi32>
    %eq3A_102 = vector.broadcast %select_n3A_101 : vector<1x1024xi32> to vector<256x1024xi32>
    %eq3A_103 = arith.cmpi eq, %select_n3A_14, %eq3A_102 : vector<256x1024xi32>
    %select_n3A_104 = arith.select %eq3A_103, %select_n3A_15, %select_n3A_13 : vector<256x1024xi1>, vector<256x1024xf32>
    %select_n3A_105 = arith.select %eq3A_103, %select_n3A_16, %select_n3A_14 : vector<256x1024xi1>, vector<256x1024xi32>
    %jit3A_106 = arith.constant 0xFF800000 : f32
    %broadcast_in_dim3A_107 = vector.broadcast %jit3A_106 : f32 to vector<256x1024xf32>
    %select_n3A_108 = arith.select %eq3A_103, %broadcast_in_dim3A_107, %select_n3A_15 : vector<256x1024xi1>, vector<256x1024xf32>
    %slice3A_109 = vector.extract_strided_slice %select_n3A_104 {offsets = [0, 0], sizes = [128, 1024], strides = [1, 1]} : vector<256x1024xf32> to vector<128x1024xf32>
    %slice3A_110 = vector.extract_strided_slice %select_n3A_104 {offsets = [128, 0], sizes = [128, 1024], strides = [1, 1]} : vector<256x1024xf32> to vector<128x1024xf32>
    %slice3A_111 = vector.extract_strided_slice %select_n3A_105 {offsets = [0, 0], sizes = [128, 1024], strides = [1, 1]} : vector<256x1024xi32> to vector<128x1024xi32>
    %slice3A_112 = vector.extract_strided_slice %select_n3A_105 {offsets = [128, 0], sizes = [128, 1024], strides = [1, 1]} : vector<256x1024xi32> to vector<128x1024xi32>
    %gt3A_113 = arith.cmpf ogt, %slice3A_110, %slice3A_109 : vector<128x1024xf32>
    %eq3A_114 = arith.cmpf oeq, %slice3A_110, %slice3A_109 : vector<128x1024xf32>
    %lt3A_115 = arith.cmpi slt, %slice3A_112, %slice3A_111 : vector<128x1024xi32>
    %and3A_116 = arith.andi %eq3A_114, %lt3A_115 : vector<128x1024xi1>
    %or3A_117 = arith.ori %gt3A_113, %and3A_116 : vector<128x1024xi1>
    %select_n3A_118 = arith.select %or3A_117, %slice3A_110, %slice3A_109 : vector<128x1024xi1>, vector<128x1024xf32>
    %select_n3A_119 = arith.select %or3A_117, %slice3A_112, %slice3A_111 : vector<128x1024xi1>, vector<128x1024xi32>
    %slice3A_120 = vector.extract_strided_slice %select_n3A_118 {offsets = [0, 0], sizes = [64, 1024], strides = [1, 1]} : vector<128x1024xf32> to vector<64x1024xf32>
    %slice3A_121 = vector.extract_strided_slice %select_n3A_118 {offsets = [64, 0], sizes = [64, 1024], strides = [1, 1]} : vector<128x1024xf32> to vector<64x1024xf32>
    %slice3A_122 = vector.extract_strided_slice %select_n3A_119 {offsets = [0, 0], sizes = [64, 1024], strides = [1, 1]} : vector<128x1024xi32> to vector<64x1024xi32>
    %slice3A_123 = vector.extract_strided_slice %select_n3A_119 {offsets = [64, 0], sizes = [64, 1024], strides = [1, 1]} : vector<128x1024xi32> to vector<64x1024xi32>
    %gt3A_124 = arith.cmpf ogt, %slice3A_121, %slice3A_120 : vector<64x1024xf32>
    %eq3A_125 = arith.cmpf oeq, %slice3A_121, %slice3A_120 : vector<64x1024xf32>
    %lt3A_126 = arith.cmpi slt, %slice3A_123, %slice3A_122 : vector<64x1024xi32>
    %and3A_127 = arith.andi %eq3A_125, %lt3A_126 : vector<64x1024xi1>
    %or3A_128 = arith.ori %gt3A_124, %and3A_127 : vector<64x1024xi1>
    %select_n3A_129 = arith.select %or3A_128, %slice3A_121, %slice3A_120 : vector<64x1024xi1>, vector<64x1024xf32>
    %select_n3A_130 = arith.select %or3A_128, %slice3A_123, %slice3A_122 : vector<64x1024xi1>, vector<64x1024xi32>
    %slice3A_131 = vector.extract_strided_slice %select_n3A_129 {offsets = [0, 0], sizes = [32, 1024], strides = [1, 1]} : vector<64x1024xf32> to vector<32x1024xf32>
    %slice3A_132 = vector.extract_strided_slice %select_n3A_129 {offsets = [32, 0], sizes = [32, 1024], strides = [1, 1]} : vector<64x1024xf32> to vector<32x1024xf32>
    %slice3A_133 = vector.extract_strided_slice %select_n3A_130 {offsets = [0, 0], sizes = [32, 1024], strides = [1, 1]} : vector<64x1024xi32> to vector<32x1024xi32>
    %slice3A_134 = vector.extract_strided_slice %select_n3A_130 {offsets = [32, 0], sizes = [32, 1024], strides = [1, 1]} : vector<64x1024xi32> to vector<32x1024xi32>
    %gt3A_135 = arith.cmpf ogt, %slice3A_132, %slice3A_131 : vector<32x1024xf32>
    %eq3A_136 = arith.cmpf oeq, %slice3A_132, %slice3A_131 : vector<32x1024xf32>
    %lt3A_137 = arith.cmpi slt, %slice3A_134, %slice3A_133 : vector<32x1024xi32>
    %and3A_138 = arith.andi %eq3A_136, %lt3A_137 : vector<32x1024xi1>
    %or3A_139 = arith.ori %gt3A_135, %and3A_138 : vector<32x1024xi1>
    %select_n3A_140 = arith.select %or3A_139, %slice3A_132, %slice3A_131 : vector<32x1024xi1>, vector<32x1024xf32>
    %select_n3A_141 = arith.select %or3A_139, %slice3A_134, %slice3A_133 : vector<32x1024xi1>, vector<32x1024xi32>
    %slice3A_142 = vector.extract_strided_slice %select_n3A_140 {offsets = [0, 0], sizes = [16, 1024], strides = [1, 1]} : vector<32x1024xf32> to vector<16x1024xf32>
    %slice3A_143 = vector.extract_strided_slice %select_n3A_140 {offsets = [16, 0], sizes = [16, 1024], strides = [1, 1]} : vector<32x1024xf32> to vector<16x1024xf32>
    %slice3A_144 = vector.extract_strided_slice %select_n3A_141 {offsets = [0, 0], sizes = [16, 1024], strides = [1, 1]} : vector<32x1024xi32> to vector<16x1024xi32>
    %slice3A_145 = vector.extract_strided_slice %select_n3A_141 {offsets = [16, 0], sizes = [16, 1024], strides = [1, 1]} : vector<32x1024xi32> to vector<16x1024xi32>
    %gt3A_146 = arith.cmpf ogt, %slice3A_143, %slice3A_142 : vector<16x1024xf32>
    %eq3A_147 = arith.cmpf oeq, %slice3A_143, %slice3A_142 : vector<16x1024xf32>
    %lt3A_148 = arith.cmpi slt, %slice3A_145, %slice3A_144 : vector<16x1024xi32>
    %and3A_149 = arith.andi %eq3A_147, %lt3A_148 : vector<16x1024xi1>
    %or3A_150 = arith.ori %gt3A_146, %and3A_149 : vector<16x1024xi1>
    %select_n3A_151 = arith.select %or3A_150, %slice3A_143, %slice3A_142 : vector<16x1024xi1>, vector<16x1024xf32>
    %select_n3A_152 = arith.select %or3A_150, %slice3A_145, %slice3A_144 : vector<16x1024xi1>, vector<16x1024xi32>
    %slice3A_153 = vector.extract_strided_slice %select_n3A_151 {offsets = [0, 0], sizes = [8, 1024], strides = [1, 1]} : vector<16x1024xf32> to vector<8x1024xf32>
    %slice3A_154 = vector.extract_strided_slice %select_n3A_151 {offsets = [8, 0], sizes = [8, 1024], strides = [1, 1]} : vector<16x1024xf32> to vector<8x1024xf32>
    %slice3A_155 = vector.extract_strided_slice %select_n3A_152 {offsets = [0, 0], sizes = [8, 1024], strides = [1, 1]} : vector<16x1024xi32> to vector<8x1024xi32>
    %slice3A_156 = vector.extract_strided_slice %select_n3A_152 {offsets = [8, 0], sizes = [8, 1024], strides = [1, 1]} : vector<16x1024xi32> to vector<8x1024xi32>
    %gt3A_157 = arith.cmpf ogt, %slice3A_154, %slice3A_153 : vector<8x1024xf32>
    %eq3A_158 = arith.cmpf oeq, %slice3A_154, %slice3A_153 : vector<8x1024xf32>
    %lt3A_159 = arith.cmpi slt, %slice3A_156, %slice3A_155 : vector<8x1024xi32>
    %and3A_160 = arith.andi %eq3A_158, %lt3A_159 : vector<8x1024xi1>
    %or3A_161 = arith.ori %gt3A_157, %and3A_160 : vector<8x1024xi1>
    %select_n3A_162 = arith.select %or3A_161, %slice3A_154, %slice3A_153 : vector<8x1024xi1>, vector<8x1024xf32>
    %select_n3A_163 = arith.select %or3A_161, %slice3A_156, %slice3A_155 : vector<8x1024xi1>, vector<8x1024xi32>
    %slice3A_164 = vector.extract_strided_slice %select_n3A_162 {offsets = [0, 0], sizes = [4, 1024], strides = [1, 1]} : vector<8x1024xf32> to vector<4x1024xf32>
    %slice3A_165 = vector.extract_strided_slice %select_n3A_162 {offsets = [4, 0], sizes = [4, 1024], strides = [1, 1]} : vector<8x1024xf32> to vector<4x1024xf32>
    %slice3A_166 = vector.extract_strided_slice %select_n3A_163 {offsets = [0, 0], sizes = [4, 1024], strides = [1, 1]} : vector<8x1024xi32> to vector<4x1024xi32>
    %slice3A_167 = vector.extract_strided_slice %select_n3A_163 {offsets = [4, 0], sizes = [4, 1024], strides = [1, 1]} : vector<8x1024xi32> to vector<4x1024xi32>
    %gt3A_168 = arith.cmpf ogt, %slice3A_165, %slice3A_164 : vector<4x1024xf32>
    %eq3A_169 = arith.cmpf oeq, %slice3A_165, %slice3A_164 : vector<4x1024xf32>
    %lt3A_170 = arith.cmpi slt, %slice3A_167, %slice3A_166 : vector<4x1024xi32>
    %and3A_171 = arith.andi %eq3A_169, %lt3A_170 : vector<4x1024xi1>
    %or3A_172 = arith.ori %gt3A_168, %and3A_171 : vector<4x1024xi1>
    %select_n3A_173 = arith.select %or3A_172, %slice3A_165, %slice3A_164 : vector<4x1024xi1>, vector<4x1024xf32>
    %select_n3A_174 = arith.select %or3A_172, %slice3A_167, %slice3A_166 : vector<4x1024xi1>, vector<4x1024xi32>
    %slice3A_175 = vector.extract_strided_slice %select_n3A_173 {offsets = [0, 0], sizes = [2, 1024], strides = [1, 1]} : vector<4x1024xf32> to vector<2x1024xf32>
    %slice3A_176 = vector.extract_strided_slice %select_n3A_173 {offsets = [2, 0], sizes = [2, 1024], strides = [1, 1]} : vector<4x1024xf32> to vector<2x1024xf32>
    %slice3A_177 = vector.extract_strided_slice %select_n3A_174 {offsets = [0, 0], sizes = [2, 1024], strides = [1, 1]} : vector<4x1024xi32> to vector<2x1024xi32>
    %slice3A_178 = vector.extract_strided_slice %select_n3A_174 {offsets = [2, 0], sizes = [2, 1024], strides = [1, 1]} : vector<4x1024xi32> to vector<2x1024xi32>
    %gt3A_179 = arith.cmpf ogt, %slice3A_176, %slice3A_175 : vector<2x1024xf32>
    %eq3A_180 = arith.cmpf oeq, %slice3A_176, %slice3A_175 : vector<2x1024xf32>
    %lt3A_181 = arith.cmpi slt, %slice3A_178, %slice3A_177 : vector<2x1024xi32>
    %and3A_182 = arith.andi %eq3A_180, %lt3A_181 : vector<2x1024xi1>
    %or3A_183 = arith.ori %gt3A_179, %and3A_182 : vector<2x1024xi1>
    %select_n3A_184 = arith.select %or3A_183, %slice3A_176, %slice3A_175 : vector<2x1024xi1>, vector<2x1024xf32>
    %select_n3A_185 = arith.select %or3A_183, %slice3A_178, %slice3A_177 : vector<2x1024xi1>, vector<2x1024xi32>
    %slice3A_186 = vector.extract_strided_slice %select_n3A_184 {offsets = [0, 0], sizes = [1, 1024], strides = [1, 1]} : vector<2x1024xf32> to vector<1x1024xf32>
    %slice3A_187 = vector.extract_strided_slice %select_n3A_184 {offsets = [1, 0], sizes = [1, 1024], strides = [1, 1]} : vector<2x1024xf32> to vector<1x1024xf32>
    %slice3A_188 = vector.extract_strided_slice %select_n3A_185 {offsets = [0, 0], sizes = [1, 1024], strides = [1, 1]} : vector<2x1024xi32> to vector<1x1024xi32>
    %slice3A_189 = vector.extract_strided_slice %select_n3A_185 {offsets = [1, 0], sizes = [1, 1024], strides = [1, 1]} : vector<2x1024xi32> to vector<1x1024xi32>
    %gt3A_190 = arith.cmpf ogt, %slice3A_187, %slice3A_186 : vector<1x1024xf32>
    %eq3A_191 = arith.cmpf oeq, %slice3A_187, %slice3A_186 : vector<1x1024xf32>
    %lt3A_192 = arith.cmpi slt, %slice3A_189, %slice3A_188 : vector<1x1024xi32>
    %and3A_193 = arith.andi %eq3A_191, %lt3A_192 : vector<1x1024xi1>
    %or3A_194 = arith.ori %gt3A_190, %and3A_193 : vector<1x1024xi1>
    %select_n3A_195 = arith.select %or3A_194, %slice3A_187, %slice3A_186 : vector<1x1024xi1>, vector<1x1024xf32>
    %select_n3A_196 = arith.select %or3A_194, %slice3A_189, %slice3A_188 : vector<1x1024xi1>, vector<1x1024xi32>
    %eq3A_197 = vector.broadcast %select_n3A_196 : vector<1x1024xi32> to vector<256x1024xi32>
    %eq3A_198 = arith.cmpi eq, %select_n3A_105, %eq3A_197 : vector<256x1024xi32>
    %select_n3A_199 = arith.select %eq3A_198, %select_n3A_108, %select_n3A_104 : vector<256x1024xi1>, vector<256x1024xf32>
    %select_n3A_200 = arith.select %eq3A_198, %select_n3A_16, %select_n3A_105 : vector<256x1024xi1>, vector<256x1024xi32>
    %jit3A_201 = arith.constant 0xFF800000 : f32
    %broadcast_in_dim3A_202 = vector.broadcast %jit3A_201 : f32 to vector<256x1024xf32>
    %select_n3A_203 = arith.select %eq3A_198, %broadcast_in_dim3A_202, %select_n3A_108 : vector<256x1024xi1>, vector<256x1024xf32>
    %slice3A_204 = vector.extract_strided_slice %select_n3A_199 {offsets = [0, 0], sizes = [128, 1024], strides = [1, 1]} : vector<256x1024xf32> to vector<128x1024xf32>
    %slice3A_205 = vector.extract_strided_slice %select_n3A_199 {offsets = [128, 0], sizes = [128, 1024], strides = [1, 1]} : vector<256x1024xf32> to vector<128x1024xf32>
    %slice3A_206 = vector.extract_strided_slice %select_n3A_200 {offsets = [0, 0], sizes = [128, 1024], strides = [1, 1]} : vector<256x1024xi32> to vector<128x1024xi32>
    %slice3A_207 = vector.extract_strided_slice %select_n3A_200 {offsets = [128, 0], sizes = [128, 1024], strides = [1, 1]} : vector<256x1024xi32> to vector<128x1024xi32>
    %gt3A_208 = arith.cmpf ogt, %slice3A_205, %slice3A_204 : vector<128x1024xf32>
    %eq3A_209 = arith.cmpf oeq, %slice3A_205, %slice3A_204 : vector<128x1024xf32>
    %lt3A_210 = arith.cmpi slt, %slice3A_207, %slice3A_206 : vector<128x1024xi32>
    %and3A_211 = arith.andi %eq3A_209, %lt3A_210 : vector<128x1024xi1>
    %or3A_212 = arith.ori %gt3A_208, %and3A_211 : vector<128x1024xi1>
    %select_n3A_213 = arith.select %or3A_212, %slice3A_205, %slice3A_204 : vector<128x1024xi1>, vector<128x1024xf32>
    %select_n3A_214 = arith.select %or3A_212, %slice3A_207, %slice3A_206 : vector<128x1024xi1>, vector<128x1024xi32>
    %slice3A_215 = vector.extract_strided_slice %select_n3A_213 {offsets = [0, 0], sizes = [64, 1024], strides = [1, 1]} : vector<128x1024xf32> to vector<64x1024xf32>
    %slice3A_216 = vector.extract_strided_slice %select_n3A_213 {offsets = [64, 0], sizes = [64, 1024], strides = [1, 1]} : vector<128x1024xf32> to vector<64x1024xf32>
    %slice3A_217 = vector.extract_strided_slice %select_n3A_214 {offsets = [0, 0], sizes = [64, 1024], strides = [1, 1]} : vector<128x1024xi32> to vector<64x1024xi32>
    %slice3A_218 = vector.extract_strided_slice %select_n3A_214 {offsets = [64, 0], sizes = [64, 1024], strides = [1, 1]} : vector<128x1024xi32> to vector<64x1024xi32>
    %gt3A_219 = arith.cmpf ogt, %slice3A_216, %slice3A_215 : vector<64x1024xf32>
    %eq3A_220 = arith.cmpf oeq, %slice3A_216, %slice3A_215 : vector<64x1024xf32>
    %lt3A_221 = arith.cmpi slt, %slice3A_218, %slice3A_217 : vector<64x1024xi32>
    %and3A_222 = arith.andi %eq3A_220, %lt3A_221 : vector<64x1024xi1>
    %or3A_223 = arith.ori %gt3A_219, %and3A_222 : vector<64x1024xi1>
    %select_n3A_224 = arith.select %or3A_223, %slice3A_216, %slice3A_215 : vector<64x1024xi1>, vector<64x1024xf32>
    %select_n3A_225 = arith.select %or3A_223, %slice3A_218, %slice3A_217 : vector<64x1024xi1>, vector<64x1024xi32>
    %slice3A_226 = vector.extract_strided_slice %select_n3A_224 {offsets = [0, 0], sizes = [32, 1024], strides = [1, 1]} : vector<64x1024xf32> to vector<32x1024xf32>
    %slice3A_227 = vector.extract_strided_slice %select_n3A_224 {offsets = [32, 0], sizes = [32, 1024], strides = [1, 1]} : vector<64x1024xf32> to vector<32x1024xf32>
    %slice3A_228 = vector.extract_strided_slice %select_n3A_225 {offsets = [0, 0], sizes = [32, 1024], strides = [1, 1]} : vector<64x1024xi32> to vector<32x1024xi32>
    %slice3A_229 = vector.extract_strided_slice %select_n3A_225 {offsets = [32, 0], sizes = [32, 1024], strides = [1, 1]} : vector<64x1024xi32> to vector<32x1024xi32>
    %gt3A_230 = arith.cmpf ogt, %slice3A_227, %slice3A_226 : vector<32x1024xf32>
    %eq3A_231 = arith.cmpf oeq, %slice3A_227, %slice3A_226 : vector<32x1024xf32>
    %lt3A_232 = arith.cmpi slt, %slice3A_229, %slice3A_228 : vector<32x1024xi32>
    %and3A_233 = arith.andi %eq3A_231, %lt3A_232 : vector<32x1024xi1>
    %or3A_234 = arith.ori %gt3A_230, %and3A_233 : vector<32x1024xi1>
    %select_n3A_235 = arith.select %or3A_234, %slice3A_227, %slice3A_226 : vector<32x1024xi1>, vector<32x1024xf32>
    %select_n3A_236 = arith.select %or3A_234, %slice3A_229, %slice3A_228 : vector<32x1024xi1>, vector<32x1024xi32>
    %slice3A_237 = vector.extract_strided_slice %select_n3A_235 {offsets = [0, 0], sizes = [16, 1024], strides = [1, 1]} : vector<32x1024xf32> to vector<16x1024xf32>
    %slice3A_238 = vector.extract_strided_slice %select_n3A_235 {offsets = [16, 0], sizes = [16, 1024], strides = [1, 1]} : vector<32x1024xf32> to vector<16x1024xf32>
    %slice3A_239 = vector.extract_strided_slice %select_n3A_236 {offsets = [0, 0], sizes = [16, 1024], strides = [1, 1]} : vector<32x1024xi32> to vector<16x1024xi32>
    %slice3A_240 = vector.extract_strided_slice %select_n3A_236 {offsets = [16, 0], sizes = [16, 1024], strides = [1, 1]} : vector<32x1024xi32> to vector<16x1024xi32>
    %gt3A_241 = arith.cmpf ogt, %slice3A_238, %slice3A_237 : vector<16x1024xf32>
    %eq3A_242 = arith.cmpf oeq, %slice3A_238, %slice3A_237 : vector<16x1024xf32>
    %lt3A_243 = arith.cmpi slt, %slice3A_240, %slice3A_239 : vector<16x1024xi32>
    %and3A_244 = arith.andi %eq3A_242, %lt3A_243 : vector<16x1024xi1>
    %or3A_245 = arith.ori %gt3A_241, %and3A_244 : vector<16x1024xi1>
    %select_n3A_246 = arith.select %or3A_245, %slice3A_238, %slice3A_237 : vector<16x1024xi1>, vector<16x1024xf32>
    %select_n3A_247 = arith.select %or3A_245, %slice3A_240, %slice3A_239 : vector<16x1024xi1>, vector<16x1024xi32>
    %slice3A_248 = vector.extract_strided_slice %select_n3A_246 {offsets = [0, 0], sizes = [8, 1024], strides = [1, 1]} : vector<16x1024xf32> to vector<8x1024xf32>
    %slice3A_249 = vector.extract_strided_slice %select_n3A_246 {offsets = [8, 0], sizes = [8, 1024], strides = [1, 1]} : vector<16x1024xf32> to vector<8x1024xf32>
    %slice3A_250 = vector.extract_strided_slice %select_n3A_247 {offsets = [0, 0], sizes = [8, 1024], strides = [1, 1]} : vector<16x1024xi32> to vector<8x1024xi32>
    %slice3A_251 = vector.extract_strided_slice %select_n3A_247 {offsets = [8, 0], sizes = [8, 1024], strides = [1, 1]} : vector<16x1024xi32> to vector<8x1024xi32>
    %gt3A_252 = arith.cmpf ogt, %slice3A_249, %slice3A_248 : vector<8x1024xf32>
    %eq3A_253 = arith.cmpf oeq, %slice3A_249, %slice3A_248 : vector<8x1024xf32>
    %lt3A_254 = arith.cmpi slt, %slice3A_251, %slice3A_250 : vector<8x1024xi32>
    %and3A_255 = arith.andi %eq3A_253, %lt3A_254 : vector<8x1024xi1>
    %or3A_256 = arith.ori %gt3A_252, %and3A_255 : vector<8x1024xi1>
    %select_n3A_257 = arith.select %or3A_256, %slice3A_249, %slice3A_248 : vector<8x1024xi1>, vector<8x1024xf32>
    %select_n3A_258 = arith.select %or3A_256, %slice3A_251, %slice3A_250 : vector<8x1024xi1>, vector<8x1024xi32>
    %slice3A_259 = vector.extract_strided_slice %select_n3A_257 {offsets = [0, 0], sizes = [4, 1024], strides = [1, 1]} : vector<8x1024xf32> to vector<4x1024xf32>
    %slice3A_260 = vector.extract_strided_slice %select_n3A_257 {offsets = [4, 0], sizes = [4, 1024], strides = [1, 1]} : vector<8x1024xf32> to vector<4x1024xf32>
    %slice3A_261 = vector.extract_strided_slice %select_n3A_258 {offsets = [0, 0], sizes = [4, 1024], strides = [1, 1]} : vector<8x1024xi32> to vector<4x1024xi32>
    %slice3A_262 = vector.extract_strided_slice %select_n3A_258 {offsets = [4, 0], sizes = [4, 1024], strides = [1, 1]} : vector<8x1024xi32> to vector<4x1024xi32>
    %gt3A_263 = arith.cmpf ogt, %slice3A_260, %slice3A_259 : vector<4x1024xf32>
    %eq3A_264 = arith.cmpf oeq, %slice3A_260, %slice3A_259 : vector<4x1024xf32>
    %lt3A_265 = arith.cmpi slt, %slice3A_262, %slice3A_261 : vector<4x1024xi32>
    %and3A_266 = arith.andi %eq3A_264, %lt3A_265 : vector<4x1024xi1>
    %or3A_267 = arith.ori %gt3A_263, %and3A_266 : vector<4x1024xi1>
    %select_n3A_268 = arith.select %or3A_267, %slice3A_260, %slice3A_259 : vector<4x1024xi1>, vector<4x1024xf32>
    %select_n3A_269 = arith.select %or3A_267, %slice3A_262, %slice3A_261 : vector<4x1024xi1>, vector<4x1024xi32>
    %slice3A_270 = vector.extract_strided_slice %select_n3A_268 {offsets = [0, 0], sizes = [2, 1024], strides = [1, 1]} : vector<4x1024xf32> to vector<2x1024xf32>
    %slice3A_271 = vector.extract_strided_slice %select_n3A_268 {offsets = [2, 0], sizes = [2, 1024], strides = [1, 1]} : vector<4x1024xf32> to vector<2x1024xf32>
    %slice3A_272 = vector.extract_strided_slice %select_n3A_269 {offsets = [0, 0], sizes = [2, 1024], strides = [1, 1]} : vector<4x1024xi32> to vector<2x1024xi32>
    %slice3A_273 = vector.extract_strided_slice %select_n3A_269 {offsets = [2, 0], sizes = [2, 1024], strides = [1, 1]} : vector<4x1024xi32> to vector<2x1024xi32>
    %gt3A_274 = arith.cmpf ogt, %slice3A_271, %slice3A_270 : vector<2x1024xf32>
    %eq3A_275 = arith.cmpf oeq, %slice3A_271, %slice3A_270 : vector<2x1024xf32>
    %lt3A_276 = arith.cmpi slt, %slice3A_273, %slice3A_272 : vector<2x1024xi32>
    %and3A_277 = arith.andi %eq3A_275, %lt3A_276 : vector<2x1024xi1>
    %or3A_278 = arith.ori %gt3A_274, %and3A_277 : vector<2x1024xi1>
    %select_n3A_279 = arith.select %or3A_278, %slice3A_271, %slice3A_270 : vector<2x1024xi1>, vector<2x1024xf32>
    %select_n3A_280 = arith.select %or3A_278, %slice3A_273, %slice3A_272 : vector<2x1024xi1>, vector<2x1024xi32>
    %slice3A_281 = vector.extract_strided_slice %select_n3A_279 {offsets = [0, 0], sizes = [1, 1024], strides = [1, 1]} : vector<2x1024xf32> to vector<1x1024xf32>
    %slice3A_282 = vector.extract_strided_slice %select_n3A_279 {offsets = [1, 0], sizes = [1, 1024], strides = [1, 1]} : vector<2x1024xf32> to vector<1x1024xf32>
    %slice3A_283 = vector.extract_strided_slice %select_n3A_280 {offsets = [0, 0], sizes = [1, 1024], strides = [1, 1]} : vector<2x1024xi32> to vector<1x1024xi32>
    %slice3A_284 = vector.extract_strided_slice %select_n3A_280 {offsets = [1, 0], sizes = [1, 1024], strides = [1, 1]} : vector<2x1024xi32> to vector<1x1024xi32>
    %gt3A_285 = arith.cmpf ogt, %slice3A_282, %slice3A_281 : vector<1x1024xf32>
    %eq3A_286 = arith.cmpf oeq, %slice3A_282, %slice3A_281 : vector<1x1024xf32>
    %lt3A_287 = arith.cmpi slt, %slice3A_284, %slice3A_283 : vector<1x1024xi32>
    %and3A_288 = arith.andi %eq3A_286, %lt3A_287 : vector<1x1024xi1>
    %or3A_289 = arith.ori %gt3A_285, %and3A_288 : vector<1x1024xi1>
    %select_n3A_290 = arith.select %or3A_289, %slice3A_282, %slice3A_281 : vector<1x1024xi1>, vector<1x1024xf32>
    %select_n3A_291 = arith.select %or3A_289, %slice3A_284, %slice3A_283 : vector<1x1024xi1>, vector<1x1024xi32>
    %eq3A_292 = vector.broadcast %select_n3A_291 : vector<1x1024xi32> to vector<256x1024xi32>
    %eq3A_293 = arith.cmpi eq, %select_n3A_200, %eq3A_292 : vector<256x1024xi32>
    %select_n3A_294 = arith.select %eq3A_293, %select_n3A_203, %select_n3A_199 : vector<256x1024xi1>, vector<256x1024xf32>
    %select_n3A_295 = arith.select %eq3A_293, %select_n3A_16, %select_n3A_200 : vector<256x1024xi1>, vector<256x1024xi32>
    %jit3A_296 = arith.constant 0xFF800000 : f32
    %broadcast_in_dim3A_297 = vector.broadcast %jit3A_296 : f32 to vector<256x1024xf32>
    %select_n3A_298 = arith.select %eq3A_293, %broadcast_in_dim3A_297, %select_n3A_203 : vector<256x1024xi1>, vector<256x1024xf32>
    %slice3A_299 = vector.extract_strided_slice %select_n3A_294 {offsets = [0, 0], sizes = [128, 1024], strides = [1, 1]} : vector<256x1024xf32> to vector<128x1024xf32>
    %slice3A_300 = vector.extract_strided_slice %select_n3A_294 {offsets = [128, 0], sizes = [128, 1024], strides = [1, 1]} : vector<256x1024xf32> to vector<128x1024xf32>
    %slice3A_301 = vector.extract_strided_slice %select_n3A_295 {offsets = [0, 0], sizes = [128, 1024], strides = [1, 1]} : vector<256x1024xi32> to vector<128x1024xi32>
    %slice3A_302 = vector.extract_strided_slice %select_n3A_295 {offsets = [128, 0], sizes = [128, 1024], strides = [1, 1]} : vector<256x1024xi32> to vector<128x1024xi32>
    %gt3A_303 = arith.cmpf ogt, %slice3A_300, %slice3A_299 : vector<128x1024xf32>
    %eq3A_304 = arith.cmpf oeq, %slice3A_300, %slice3A_299 : vector<128x1024xf32>
    %lt3A_305 = arith.cmpi slt, %slice3A_302, %slice3A_301 : vector<128x1024xi32>
    %and3A_306 = arith.andi %eq3A_304, %lt3A_305 : vector<128x1024xi1>
    %or3A_307 = arith.ori %gt3A_303, %and3A_306 : vector<128x1024xi1>
    %select_n3A_308 = arith.select %or3A_307, %slice3A_300, %slice3A_299 : vector<128x1024xi1>, vector<128x1024xf32>
    %select_n3A_309 = arith.select %or3A_307, %slice3A_302, %slice3A_301 : vector<128x1024xi1>, vector<128x1024xi32>
    %slice3A_310 = vector.extract_strided_slice %select_n3A_308 {offsets = [0, 0], sizes = [64, 1024], strides = [1, 1]} : vector<128x1024xf32> to vector<64x1024xf32>
    %slice3A_311 = vector.extract_strided_slice %select_n3A_308 {offsets = [64, 0], sizes = [64, 1024], strides = [1, 1]} : vector<128x1024xf32> to vector<64x1024xf32>
    %slice3A_312 = vector.extract_strided_slice %select_n3A_309 {offsets = [0, 0], sizes = [64, 1024], strides = [1, 1]} : vector<128x1024xi32> to vector<64x1024xi32>
    %slice3A_313 = vector.extract_strided_slice %select_n3A_309 {offsets = [64, 0], sizes = [64, 1024], strides = [1, 1]} : vector<128x1024xi32> to vector<64x1024xi32>
    %gt3A_314 = arith.cmpf ogt, %slice3A_311, %slice3A_310 : vector<64x1024xf32>
    %eq3A_315 = arith.cmpf oeq, %slice3A_311, %slice3A_310 : vector<64x1024xf32>
    %lt3A_316 = arith.cmpi slt, %slice3A_313, %slice3A_312 : vector<64x1024xi32>
    %and3A_317 = arith.andi %eq3A_315, %lt3A_316 : vector<64x1024xi1>
    %or3A_318 = arith.ori %gt3A_314, %and3A_317 : vector<64x1024xi1>
    %select_n3A_319 = arith.select %or3A_318, %slice3A_311, %slice3A_310 : vector<64x1024xi1>, vector<64x1024xf32>
    %select_n3A_320 = arith.select %or3A_318, %slice3A_313, %slice3A_312 : vector<64x1024xi1>, vector<64x1024xi32>
    %slice3A_321 = vector.extract_strided_slice %select_n3A_319 {offsets = [0, 0], sizes = [32, 1024], strides = [1, 1]} : vector<64x1024xf32> to vector<32x1024xf32>
    %slice3A_322 = vector.extract_strided_slice %select_n3A_319 {offsets = [32, 0], sizes = [32, 1024], strides = [1, 1]} : vector<64x1024xf32> to vector<32x1024xf32>
    %slice3A_323 = vector.extract_strided_slice %select_n3A_320 {offsets = [0, 0], sizes = [32, 1024], strides = [1, 1]} : vector<64x1024xi32> to vector<32x1024xi32>
    %slice3A_324 = vector.extract_strided_slice %select_n3A_320 {offsets = [32, 0], sizes = [32, 1024], strides = [1, 1]} : vector<64x1024xi32> to vector<32x1024xi32>
    %gt3A_325 = arith.cmpf ogt, %slice3A_322, %slice3A_321 : vector<32x1024xf32>
    %eq3A_326 = arith.cmpf oeq, %slice3A_322, %slice3A_321 : vector<32x1024xf32>
    %lt3A_327 = arith.cmpi slt, %slice3A_324, %slice3A_323 : vector<32x1024xi32>
    %and3A_328 = arith.andi %eq3A_326, %lt3A_327 : vector<32x1024xi1>
    %or3A_329 = arith.ori %gt3A_325, %and3A_328 : vector<32x1024xi1>
    %select_n3A_330 = arith.select %or3A_329, %slice3A_322, %slice3A_321 : vector<32x1024xi1>, vector<32x1024xf32>
    %select_n3A_331 = arith.select %or3A_329, %slice3A_324, %slice3A_323 : vector<32x1024xi1>, vector<32x1024xi32>
    %slice3A_332 = vector.extract_strided_slice %select_n3A_330 {offsets = [0, 0], sizes = [16, 1024], strides = [1, 1]} : vector<32x1024xf32> to vector<16x1024xf32>
    %slice3A_333 = vector.extract_strided_slice %select_n3A_330 {offsets = [16, 0], sizes = [16, 1024], strides = [1, 1]} : vector<32x1024xf32> to vector<16x1024xf32>
    %slice3A_334 = vector.extract_strided_slice %select_n3A_331 {offsets = [0, 0], sizes = [16, 1024], strides = [1, 1]} : vector<32x1024xi32> to vector<16x1024xi32>
    %slice3A_335 = vector.extract_strided_slice %select_n3A_331 {offsets = [16, 0], sizes = [16, 1024], strides = [1, 1]} : vector<32x1024xi32> to vector<16x1024xi32>
    %gt3A_336 = arith.cmpf ogt, %slice3A_333, %slice3A_332 : vector<16x1024xf32>
    %eq3A_337 = arith.cmpf oeq, %slice3A_333, %slice3A_332 : vector<16x1024xf32>
    %lt3A_338 = arith.cmpi slt, %slice3A_335, %slice3A_334 : vector<16x1024xi32>
    %and3A_339 = arith.andi %eq3A_337, %lt3A_338 : vector<16x1024xi1>
    %or3A_340 = arith.ori %gt3A_336, %and3A_339 : vector<16x1024xi1>
    %select_n3A_341 = arith.select %or3A_340, %slice3A_333, %slice3A_332 : vector<16x1024xi1>, vector<16x1024xf32>
    %select_n3A_342 = arith.select %or3A_340, %slice3A_335, %slice3A_334 : vector<16x1024xi1>, vector<16x1024xi32>
    %slice3A_343 = vector.extract_strided_slice %select_n3A_341 {offsets = [0, 0], sizes = [8, 1024], strides = [1, 1]} : vector<16x1024xf32> to vector<8x1024xf32>
    %slice3A_344 = vector.extract_strided_slice %select_n3A_341 {offsets = [8, 0], sizes = [8, 1024], strides = [1, 1]} : vector<16x1024xf32> to vector<8x1024xf32>
    %slice3A_345 = vector.extract_strided_slice %select_n3A_342 {offsets = [0, 0], sizes = [8, 1024], strides = [1, 1]} : vector<16x1024xi32> to vector<8x1024xi32>
    %slice3A_346 = vector.extract_strided_slice %select_n3A_342 {offsets = [8, 0], sizes = [8, 1024], strides = [1, 1]} : vector<16x1024xi32> to vector<8x1024xi32>
    %gt3A_347 = arith.cmpf ogt, %slice3A_344, %slice3A_343 : vector<8x1024xf32>
    %eq3A_348 = arith.cmpf oeq, %slice3A_344, %slice3A_343 : vector<8x1024xf32>
    %lt3A_349 = arith.cmpi slt, %slice3A_346, %slice3A_345 : vector<8x1024xi32>
    %and3A_350 = arith.andi %eq3A_348, %lt3A_349 : vector<8x1024xi1>
    %or3A_351 = arith.ori %gt3A_347, %and3A_350 : vector<8x1024xi1>
    %select_n3A_352 = arith.select %or3A_351, %slice3A_344, %slice3A_343 : vector<8x1024xi1>, vector<8x1024xf32>
    %select_n3A_353 = arith.select %or3A_351, %slice3A_346, %slice3A_345 : vector<8x1024xi1>, vector<8x1024xi32>
    %slice3A_354 = vector.extract_strided_slice %select_n3A_352 {offsets = [0, 0], sizes = [4, 1024], strides = [1, 1]} : vector<8x1024xf32> to vector<4x1024xf32>
    %slice3A_355 = vector.extract_strided_slice %select_n3A_352 {offsets = [4, 0], sizes = [4, 1024], strides = [1, 1]} : vector<8x1024xf32> to vector<4x1024xf32>
    %slice3A_356 = vector.extract_strided_slice %select_n3A_353 {offsets = [0, 0], sizes = [4, 1024], strides = [1, 1]} : vector<8x1024xi32> to vector<4x1024xi32>
    %slice3A_357 = vector.extract_strided_slice %select_n3A_353 {offsets = [4, 0], sizes = [4, 1024], strides = [1, 1]} : vector<8x1024xi32> to vector<4x1024xi32>
    %gt3A_358 = arith.cmpf ogt, %slice3A_355, %slice3A_354 : vector<4x1024xf32>
    %eq3A_359 = arith.cmpf oeq, %slice3A_355, %slice3A_354 : vector<4x1024xf32>
    %lt3A_360 = arith.cmpi slt, %slice3A_357, %slice3A_356 : vector<4x1024xi32>
    %and3A_361 = arith.andi %eq3A_359, %lt3A_360 : vector<4x1024xi1>
    %or3A_362 = arith.ori %gt3A_358, %and3A_361 : vector<4x1024xi1>
    %select_n3A_363 = arith.select %or3A_362, %slice3A_355, %slice3A_354 : vector<4x1024xi1>, vector<4x1024xf32>
    %select_n3A_364 = arith.select %or3A_362, %slice3A_357, %slice3A_356 : vector<4x1024xi1>, vector<4x1024xi32>
    %slice3A_365 = vector.extract_strided_slice %select_n3A_363 {offsets = [0, 0], sizes = [2, 1024], strides = [1, 1]} : vector<4x1024xf32> to vector<2x1024xf32>
    %slice3A_366 = vector.extract_strided_slice %select_n3A_363 {offsets = [2, 0], sizes = [2, 1024], strides = [1, 1]} : vector<4x1024xf32> to vector<2x1024xf32>
    %slice3A_367 = vector.extract_strided_slice %select_n3A_364 {offsets = [0, 0], sizes = [2, 1024], strides = [1, 1]} : vector<4x1024xi32> to vector<2x1024xi32>
    %slice3A_368 = vector.extract_strided_slice %select_n3A_364 {offsets = [2, 0], sizes = [2, 1024], strides = [1, 1]} : vector<4x1024xi32> to vector<2x1024xi32>
    %gt3A_369 = arith.cmpf ogt, %slice3A_366, %slice3A_365 : vector<2x1024xf32>
    %eq3A_370 = arith.cmpf oeq, %slice3A_366, %slice3A_365 : vector<2x1024xf32>
    %lt3A_371 = arith.cmpi slt, %slice3A_368, %slice3A_367 : vector<2x1024xi32>
    %and3A_372 = arith.andi %eq3A_370, %lt3A_371 : vector<2x1024xi1>
    %or3A_373 = arith.ori %gt3A_369, %and3A_372 : vector<2x1024xi1>
    %select_n3A_374 = arith.select %or3A_373, %slice3A_366, %slice3A_365 : vector<2x1024xi1>, vector<2x1024xf32>
    %select_n3A_375 = arith.select %or3A_373, %slice3A_368, %slice3A_367 : vector<2x1024xi1>, vector<2x1024xi32>
    %slice3A_376 = vector.extract_strided_slice %select_n3A_374 {offsets = [0, 0], sizes = [1, 1024], strides = [1, 1]} : vector<2x1024xf32> to vector<1x1024xf32>
    %slice3A_377 = vector.extract_strided_slice %select_n3A_374 {offsets = [1, 0], sizes = [1, 1024], strides = [1, 1]} : vector<2x1024xf32> to vector<1x1024xf32>
    %slice3A_378 = vector.extract_strided_slice %select_n3A_375 {offsets = [0, 0], sizes = [1, 1024], strides = [1, 1]} : vector<2x1024xi32> to vector<1x1024xi32>
    %slice3A_379 = vector.extract_strided_slice %select_n3A_375 {offsets = [1, 0], sizes = [1, 1024], strides = [1, 1]} : vector<2x1024xi32> to vector<1x1024xi32>
    %gt3A_380 = arith.cmpf ogt, %slice3A_377, %slice3A_376 : vector<1x1024xf32>
    %eq3A_381 = arith.cmpf oeq, %slice3A_377, %slice3A_376 : vector<1x1024xf32>
    %lt3A_382 = arith.cmpi slt, %slice3A_379, %slice3A_378 : vector<1x1024xi32>
    %and3A_383 = arith.andi %eq3A_381, %lt3A_382 : vector<1x1024xi1>
    %or3A_384 = arith.ori %gt3A_380, %and3A_383 : vector<1x1024xi1>
    %select_n3A_385 = arith.select %or3A_384, %slice3A_377, %slice3A_376 : vector<1x1024xi1>, vector<1x1024xf32>
    %select_n3A_386 = arith.select %or3A_384, %slice3A_379, %slice3A_378 : vector<1x1024xi1>, vector<1x1024xi32>
    %eq3A_387 = vector.broadcast %select_n3A_386 : vector<1x1024xi32> to vector<256x1024xi32>
    %eq3A_388 = arith.cmpi eq, %select_n3A_295, %eq3A_387 : vector<256x1024xi32>
    %select_n3A_389 = arith.select %eq3A_388, %select_n3A_298, %select_n3A_294 : vector<256x1024xi1>, vector<256x1024xf32>
    %select_n3A_390 = arith.select %eq3A_388, %select_n3A_16, %select_n3A_295 : vector<256x1024xi1>, vector<256x1024xi32>
    %slice3A_391 = vector.extract_strided_slice %select_n3A_389 {offsets = [0, 0], sizes = [128, 1024], strides = [1, 1]} : vector<256x1024xf32> to vector<128x1024xf32>
    %slice3A_392 = vector.extract_strided_slice %select_n3A_389 {offsets = [128, 0], sizes = [128, 1024], strides = [1, 1]} : vector<256x1024xf32> to vector<128x1024xf32>
    %slice3A_393 = vector.extract_strided_slice %select_n3A_390 {offsets = [0, 0], sizes = [128, 1024], strides = [1, 1]} : vector<256x1024xi32> to vector<128x1024xi32>
    %slice3A_394 = vector.extract_strided_slice %select_n3A_390 {offsets = [128, 0], sizes = [128, 1024], strides = [1, 1]} : vector<256x1024xi32> to vector<128x1024xi32>
    %gt3A_395 = arith.cmpf ogt, %slice3A_392, %slice3A_391 : vector<128x1024xf32>
    %eq3A_396 = arith.cmpf oeq, %slice3A_392, %slice3A_391 : vector<128x1024xf32>
    %lt3A_397 = arith.cmpi slt, %slice3A_394, %slice3A_393 : vector<128x1024xi32>
    %and3A_398 = arith.andi %eq3A_396, %lt3A_397 : vector<128x1024xi1>
    %or3A_399 = arith.ori %gt3A_395, %and3A_398 : vector<128x1024xi1>
    %select_n3A_400 = arith.select %or3A_399, %slice3A_392, %slice3A_391 : vector<128x1024xi1>, vector<128x1024xf32>
    %select_n3A_401 = arith.select %or3A_399, %slice3A_394, %slice3A_393 : vector<128x1024xi1>, vector<128x1024xi32>
    %slice3A_402 = vector.extract_strided_slice %select_n3A_400 {offsets = [0, 0], sizes = [64, 1024], strides = [1, 1]} : vector<128x1024xf32> to vector<64x1024xf32>
    %slice3A_403 = vector.extract_strided_slice %select_n3A_400 {offsets = [64, 0], sizes = [64, 1024], strides = [1, 1]} : vector<128x1024xf32> to vector<64x1024xf32>
    %slice3A_404 = vector.extract_strided_slice %select_n3A_401 {offsets = [0, 0], sizes = [64, 1024], strides = [1, 1]} : vector<128x1024xi32> to vector<64x1024xi32>
    %slice3A_405 = vector.extract_strided_slice %select_n3A_401 {offsets = [64, 0], sizes = [64, 1024], strides = [1, 1]} : vector<128x1024xi32> to vector<64x1024xi32>
    %gt3A_406 = arith.cmpf ogt, %slice3A_403, %slice3A_402 : vector<64x1024xf32>
    %eq3A_407 = arith.cmpf oeq, %slice3A_403, %slice3A_402 : vector<64x1024xf32>
    %lt3A_408 = arith.cmpi slt, %slice3A_405, %slice3A_404 : vector<64x1024xi32>
    %and3A_409 = arith.andi %eq3A_407, %lt3A_408 : vector<64x1024xi1>
    %or3A_410 = arith.ori %gt3A_406, %and3A_409 : vector<64x1024xi1>
    %select_n3A_411 = arith.select %or3A_410, %slice3A_403, %slice3A_402 : vector<64x1024xi1>, vector<64x1024xf32>
    %select_n3A_412 = arith.select %or3A_410, %slice3A_405, %slice3A_404 : vector<64x1024xi1>, vector<64x1024xi32>
    %slice3A_413 = vector.extract_strided_slice %select_n3A_411 {offsets = [0, 0], sizes = [32, 1024], strides = [1, 1]} : vector<64x1024xf32> to vector<32x1024xf32>
    %slice3A_414 = vector.extract_strided_slice %select_n3A_411 {offsets = [32, 0], sizes = [32, 1024], strides = [1, 1]} : vector<64x1024xf32> to vector<32x1024xf32>
    %slice3A_415 = vector.extract_strided_slice %select_n3A_412 {offsets = [0, 0], sizes = [32, 1024], strides = [1, 1]} : vector<64x1024xi32> to vector<32x1024xi32>
    %slice3A_416 = vector.extract_strided_slice %select_n3A_412 {offsets = [32, 0], sizes = [32, 1024], strides = [1, 1]} : vector<64x1024xi32> to vector<32x1024xi32>
    %gt3A_417 = arith.cmpf ogt, %slice3A_414, %slice3A_413 : vector<32x1024xf32>
    %eq3A_418 = arith.cmpf oeq, %slice3A_414, %slice3A_413 : vector<32x1024xf32>
    %lt3A_419 = arith.cmpi slt, %slice3A_416, %slice3A_415 : vector<32x1024xi32>
    %and3A_420 = arith.andi %eq3A_418, %lt3A_419 : vector<32x1024xi1>
    %or3A_421 = arith.ori %gt3A_417, %and3A_420 : vector<32x1024xi1>
    %select_n3A_422 = arith.select %or3A_421, %slice3A_414, %slice3A_413 : vector<32x1024xi1>, vector<32x1024xf32>
    %select_n3A_423 = arith.select %or3A_421, %slice3A_416, %slice3A_415 : vector<32x1024xi1>, vector<32x1024xi32>
    %slice3A_424 = vector.extract_strided_slice %select_n3A_422 {offsets = [0, 0], sizes = [16, 1024], strides = [1, 1]} : vector<32x1024xf32> to vector<16x1024xf32>
    %slice3A_425 = vector.extract_strided_slice %select_n3A_422 {offsets = [16, 0], sizes = [16, 1024], strides = [1, 1]} : vector<32x1024xf32> to vector<16x1024xf32>
    %slice3A_426 = vector.extract_strided_slice %select_n3A_423 {offsets = [0, 0], sizes = [16, 1024], strides = [1, 1]} : vector<32x1024xi32> to vector<16x1024xi32>
    %slice3A_427 = vector.extract_strided_slice %select_n3A_423 {offsets = [16, 0], sizes = [16, 1024], strides = [1, 1]} : vector<32x1024xi32> to vector<16x1024xi32>
    %gt3A_428 = arith.cmpf ogt, %slice3A_425, %slice3A_424 : vector<16x1024xf32>
    %eq3A_429 = arith.cmpf oeq, %slice3A_425, %slice3A_424 : vector<16x1024xf32>
    %lt3A_430 = arith.cmpi slt, %slice3A_427, %slice3A_426 : vector<16x1024xi32>
    %and3A_431 = arith.andi %eq3A_429, %lt3A_430 : vector<16x1024xi1>
    %or3A_432 = arith.ori %gt3A_428, %and3A_431 : vector<16x1024xi1>
    %select_n3A_433 = arith.select %or3A_432, %slice3A_425, %slice3A_424 : vector<16x1024xi1>, vector<16x1024xf32>
    %select_n3A_434 = arith.select %or3A_432, %slice3A_427, %slice3A_426 : vector<16x1024xi1>, vector<16x1024xi32>
    %slice3A_435 = vector.extract_strided_slice %select_n3A_433 {offsets = [0, 0], sizes = [8, 1024], strides = [1, 1]} : vector<16x1024xf32> to vector<8x1024xf32>
    %slice3A_436 = vector.extract_strided_slice %select_n3A_433 {offsets = [8, 0], sizes = [8, 1024], strides = [1, 1]} : vector<16x1024xf32> to vector<8x1024xf32>
    %slice3A_437 = vector.extract_strided_slice %select_n3A_434 {offsets = [0, 0], sizes = [8, 1024], strides = [1, 1]} : vector<16x1024xi32> to vector<8x1024xi32>
    %slice3A_438 = vector.extract_strided_slice %select_n3A_434 {offsets = [8, 0], sizes = [8, 1024], strides = [1, 1]} : vector<16x1024xi32> to vector<8x1024xi32>
    %gt3A_439 = arith.cmpf ogt, %slice3A_436, %slice3A_435 : vector<8x1024xf32>
    %eq3A_440 = arith.cmpf oeq, %slice3A_436, %slice3A_435 : vector<8x1024xf32>
    %lt3A_441 = arith.cmpi slt, %slice3A_438, %slice3A_437 : vector<8x1024xi32>
    %and3A_442 = arith.andi %eq3A_440, %lt3A_441 : vector<8x1024xi1>
    %or3A_443 = arith.ori %gt3A_439, %and3A_442 : vector<8x1024xi1>
    %select_n3A_444 = arith.select %or3A_443, %slice3A_436, %slice3A_435 : vector<8x1024xi1>, vector<8x1024xf32>
    %select_n3A_445 = arith.select %or3A_443, %slice3A_438, %slice3A_437 : vector<8x1024xi1>, vector<8x1024xi32>
    %slice3A_446 = vector.extract_strided_slice %select_n3A_444 {offsets = [0, 0], sizes = [4, 1024], strides = [1, 1]} : vector<8x1024xf32> to vector<4x1024xf32>
    %slice3A_447 = vector.extract_strided_slice %select_n3A_444 {offsets = [4, 0], sizes = [4, 1024], strides = [1, 1]} : vector<8x1024xf32> to vector<4x1024xf32>
    %slice3A_448 = vector.extract_strided_slice %select_n3A_445 {offsets = [0, 0], sizes = [4, 1024], strides = [1, 1]} : vector<8x1024xi32> to vector<4x1024xi32>
    %slice3A_449 = vector.extract_strided_slice %select_n3A_445 {offsets = [4, 0], sizes = [4, 1024], strides = [1, 1]} : vector<8x1024xi32> to vector<4x1024xi32>
    %gt3A_450 = arith.cmpf ogt, %slice3A_447, %slice3A_446 : vector<4x1024xf32>
    %eq3A_451 = arith.cmpf oeq, %slice3A_447, %slice3A_446 : vector<4x1024xf32>
    %lt3A_452 = arith.cmpi slt, %slice3A_449, %slice3A_448 : vector<4x1024xi32>
    %and3A_453 = arith.andi %eq3A_451, %lt3A_452 : vector<4x1024xi1>
    %or3A_454 = arith.ori %gt3A_450, %and3A_453 : vector<4x1024xi1>
    %select_n3A_455 = arith.select %or3A_454, %slice3A_447, %slice3A_446 : vector<4x1024xi1>, vector<4x1024xf32>
    %select_n3A_456 = arith.select %or3A_454, %slice3A_449, %slice3A_448 : vector<4x1024xi1>, vector<4x1024xi32>
    %slice3A_457 = vector.extract_strided_slice %select_n3A_455 {offsets = [0, 0], sizes = [2, 1024], strides = [1, 1]} : vector<4x1024xf32> to vector<2x1024xf32>
    %slice3A_458 = vector.extract_strided_slice %select_n3A_455 {offsets = [2, 0], sizes = [2, 1024], strides = [1, 1]} : vector<4x1024xf32> to vector<2x1024xf32>
    %slice3A_459 = vector.extract_strided_slice %select_n3A_456 {offsets = [0, 0], sizes = [2, 1024], strides = [1, 1]} : vector<4x1024xi32> to vector<2x1024xi32>
    %slice3A_460 = vector.extract_strided_slice %select_n3A_456 {offsets = [2, 0], sizes = [2, 1024], strides = [1, 1]} : vector<4x1024xi32> to vector<2x1024xi32>
    %gt3A_461 = arith.cmpf ogt, %slice3A_458, %slice3A_457 : vector<2x1024xf32>
    %eq3A_462 = arith.cmpf oeq, %slice3A_458, %slice3A_457 : vector<2x1024xf32>
    %lt3A_463 = arith.cmpi slt, %slice3A_460, %slice3A_459 : vector<2x1024xi32>
    %and3A_464 = arith.andi %eq3A_462, %lt3A_463 : vector<2x1024xi1>
    %or3A_465 = arith.ori %gt3A_461, %and3A_464 : vector<2x1024xi1>
    %select_n3A_466 = arith.select %or3A_465, %slice3A_458, %slice3A_457 : vector<2x1024xi1>, vector<2x1024xf32>
    %select_n3A_467 = arith.select %or3A_465, %slice3A_460, %slice3A_459 : vector<2x1024xi1>, vector<2x1024xi32>
    %slice3A_468 = vector.extract_strided_slice %select_n3A_466 {offsets = [0, 0], sizes = [1, 1024], strides = [1, 1]} : vector<2x1024xf32> to vector<1x1024xf32>
    %slice3A_469 = vector.extract_strided_slice %select_n3A_466 {offsets = [1, 0], sizes = [1, 1024], strides = [1, 1]} : vector<2x1024xf32> to vector<1x1024xf32>
    %slice3A_470 = vector.extract_strided_slice %select_n3A_467 {offsets = [0, 0], sizes = [1, 1024], strides = [1, 1]} : vector<2x1024xi32> to vector<1x1024xi32>
    %slice3A_471 = vector.extract_strided_slice %select_n3A_467 {offsets = [1, 0], sizes = [1, 1024], strides = [1, 1]} : vector<2x1024xi32> to vector<1x1024xi32>
    %gt3A_472 = arith.cmpf ogt, %slice3A_469, %slice3A_468 : vector<1x1024xf32>
    %eq3A_473 = arith.cmpf oeq, %slice3A_469, %slice3A_468 : vector<1x1024xf32>
    %lt3A_474 = arith.cmpi slt, %slice3A_471, %slice3A_470 : vector<1x1024xi32>
    %and3A_475 = arith.andi %eq3A_473, %lt3A_474 : vector<1x1024xi1>
    %or3A_476 = arith.ori %gt3A_472, %and3A_475 : vector<1x1024xi1>
    %select_n3A_477 = arith.select %or3A_476, %slice3A_469, %slice3A_468 : vector<1x1024xi1>, vector<1x1024xf32>
    %select_n3A_478 = arith.select %or3A_476, %slice3A_471, %slice3A_470 : vector<1x1024xi1>, vector<1x1024xi32>
    %concatenate3A = tpu.concatenate %select_n3A_100, %select_n3A_195, %select_n3A_290, %select_n3A_385, %select_n3A_477 in 0 : vector<1x1024xf32>, vector<1x1024xf32>, vector<1x1024xf32>, vector<1x1024xf32>, vector<1x1024xf32> -> vector<5x1024xf32>
    %concatenate3A_479 = tpu.concatenate %select_n3A_101, %select_n3A_196, %select_n3A_291, %select_n3A_386, %select_n3A_478 in 0 : vector<1x1024xi32>, vector<1x1024xi32>, vector<1x1024xi32>, vector<1x1024xi32>, vector<1x1024xi32> -> vector<5x1024xi32>
    %eq3A_480 = arith.constant 0 : i32
    %eq3A_481 = arith.cmpi eq, %arg0, %eq3A_480 : i32
    %convert_element_type3A = arith.extui %eq3A_481 : i1 to i32
    %cond3A = arith.constant 0 : i32
    %cond3A_482 = arith.cmpi ne, %convert_element_type3A, %cond3A : i32
    scf.if %cond3A_482 {
      %swap3A = arith.constant 0 : index
      %swap3A_488 = arith.constant 0 : index
      %swap3A_489 = vector.load %arg3[%swap3A, %swap3A_488] : memref<5x1024xf32, #tpu.memory_space<vmem>>, vector<5x1024xf32>
      tpu.vector_store %arg3[%swap3A, %swap3A_488], %concatenate3A {strides = array<i32>} : memref<5x1024xf32, #tpu.memory_space<vmem>>, vector<5x1024xf32>,
      %swap3A_490 = arith.constant 0 : index
      %swap3A_491 = arith.constant 0 : index
      %swap3A_492 = vector.load %arg4[%swap3A_490, %swap3A_491] : memref<5x1024xi32, #tpu.memory_space<vmem>>, vector<5x1024xi32>
      tpu.vector_store %arg4[%swap3A_490, %swap3A_491], %concatenate3A_479 {strides = array<i32>} : memref<5x1024xi32, #tpu.memory_space<vmem>>, vector<5x1024xi32>,
    } else {
    }
    %gt3A_483 = arith.constant 0 : i32
    %gt3A_484 = arith.cmpi sgt, %arg0, %gt3A_483 : i32
    %convert_element_type3A_485 = arith.extui %gt3A_484 : i1 to i32
    %cond3A_486 = arith.constant 0 : i32
    %cond3A_487 = arith.cmpi ne, %convert_element_type3A_485, %cond3A_486 : i32
    scf.if %cond3A_487 {
      %get3A_488 = arith.constant 0 : index
      %get3A_489 = arith.constant 0 : index
      %get3A_490 = vector.load %arg3[%get3A_488, %get3A_489] : memref<5x1024xf32, #tpu.memory_space<vmem>>, vector<5x1024xf32>
      %concatenate3A_491 = tpu.concatenate %get3A_490, %concatenate3A in 0 : vector<5x1024xf32>, vector<5x1024xf32> -> vector<10x1024xf32>
      %get3A_492 = arith.constant 0 : index
      %get3A_493 = arith.constant 0 : index
      %get3A_494 = vector.load %arg4[%get3A_492, %get3A_493] : memref<5x1024xi32, #tpu.memory_space<vmem>>, vector<5x1024xi32>
      %concatenate3A_495 = tpu.concatenate %get3A_494, %concatenate3A_479 in 0 : vector<5x1024xi32>, vector<5x1024xi32> -> vector<10x1024xi32>
      %broadcast_in_dim3A_496 = arith.constant 0xFF800000 : f32
      %broadcast_in_dim3A_497 = vector.broadcast %broadcast_in_dim3A_496 : f32 to vector<6x1024xf32>
      %concatenate3A_498 = tpu.concatenate %concatenate3A_491, %broadcast_in_dim3A_497 in 0 : vector<10x1024xf32>, vector<6x1024xf32> -> vector<16x1024xf32>
      %broadcast_in_dim3A_499 = arith.constant 1073741824 : i32
      %broadcast_in_dim3A_500 = vector.broadcast %broadcast_in_dim3A_499 : i32 to vector<6x1024xi32>
      %concatenate3A_501 = tpu.concatenate %concatenate3A_495, %broadcast_in_dim3A_500 in 0 : vector<10x1024xi32>, vector<6x1024xi32> -> vector<16x1024xi32>
      %slice3A_502 = vector.extract_strided_slice %concatenate3A_498 {offsets = [0, 0], sizes = [8, 1024], strides = [1, 1]} : vector<16x1024xf32> to vector<8x1024xf32>
      %slice3A_503 = vector.extract_strided_slice %concatenate3A_498 {offsets = [8, 0], sizes = [8, 1024], strides = [1, 1]} : vector<16x1024xf32> to vector<8x1024xf32>
      %slice3A_504 = vector.extract_strided_slice %concatenate3A_501 {offsets = [0, 0], sizes = [8, 1024], strides = [1, 1]} : vector<16x1024xi32> to vector<8x1024xi32>
      %slice3A_505 = vector.extract_strided_slice %concatenate3A_501 {offsets = [8, 0], sizes = [8, 1024], strides = [1, 1]} : vector<16x1024xi32> to vector<8x1024xi32>
      %gt3A_506 = arith.cmpf ogt, %slice3A_503, %slice3A_502 : vector<8x1024xf32>
      %select_n3A_507 = arith.select %gt3A_506, %slice3A_503, %slice3A_502 : vector<8x1024xi1>, vector<8x1024xf32>
      %select_n3A_508 = arith.select %gt3A_506, %slice3A_505, %slice3A_504 : vector<8x1024xi1>, vector<8x1024xi32>
      %slice3A_509 = vector.extract_strided_slice %select_n3A_507 {offsets = [0, 0], sizes = [4, 1024], strides = [1, 1]} : vector<8x1024xf32> to vector<4x1024xf32>
      %slice3A_510 = vector.extract_strided_slice %select_n3A_507 {offsets = [4, 0], sizes = [4, 1024], strides = [1, 1]} : vector<8x1024xf32> to vector<4x1024xf32>
      %slice3A_511 = vector.extract_strided_slice %select_n3A_508 {offsets = [0, 0], sizes = [4, 1024], strides = [1, 1]} : vector<8x1024xi32> to vector<4x1024xi32>
      %slice3A_512 = vector.extract_strided_slice %select_n3A_508 {offsets = [4, 0], sizes = [4, 1024], strides = [1, 1]} : vector<8x1024xi32> to vector<4x1024xi32>
      %gt3A_513 = arith.cmpf ogt, %slice3A_510, %slice3A_509 : vector<4x1024xf32>
      %eq3A_514 = arith.cmpf oeq, %slice3A_510, %slice3A_509 : vector<4x1024xf32>
      %lt3A_515 = arith.cmpi slt, %slice3A_512, %slice3A_511 : vector<4x1024xi32>
      %and3A_516 = arith.andi %eq3A_514, %lt3A_515 : vector<4x1024xi1>
      %or3A_517 = arith.ori %gt3A_513, %and3A_516 : vector<4x1024xi1>
      %select_n3A_518 = arith.select %or3A_517, %slice3A_510, %slice3A_509 : vector<4x1024xi1>, vector<4x1024xf32>
      %select_n3A_519 = arith.select %or3A_517, %slice3A_512, %slice3A_511 : vector<4x1024xi1>, vector<4x1024xi32>
      %slice3A_520 = vector.extract_strided_slice %select_n3A_518 {offsets = [0, 0], sizes = [2, 1024], strides = [1, 1]} : vector<4x1024xf32> to vector<2x1024xf32>
      %slice3A_521 = vector.extract_strided_slice %select_n3A_518 {offsets = [2, 0], sizes = [2, 1024], strides = [1, 1]} : vector<4x1024xf32> to vector<2x1024xf32>
      %slice3A_522 = vector.extract_strided_slice %select_n3A_519 {offsets = [0, 0], sizes = [2, 1024], strides = [1, 1]} : vector<4x1024xi32> to vector<2x1024xi32>
      %slice3A_523 = vector.extract_strided_slice %select_n3A_519 {offsets = [2, 0], sizes = [2, 1024], strides = [1, 1]} : vector<4x1024xi32> to vector<2x1024xi32>
      %gt3A_524 = arith.cmpf ogt, %slice3A_521, %slice3A_520 : vector<2x1024xf32>
      %eq3A_525 = arith.cmpf oeq, %slice3A_521, %slice3A_520 : vector<2x1024xf32>
      %lt3A_526 = arith.cmpi slt, %slice3A_523, %slice3A_522 : vector<2x1024xi32>
      %and3A_527 = arith.andi %eq3A_525, %lt3A_526 : vector<2x1024xi1>
      %or3A_528 = arith.ori %gt3A_524, %and3A_527 : vector<2x1024xi1>
      %select_n3A_529 = arith.select %or3A_528, %slice3A_521, %slice3A_520 : vector<2x1024xi1>, vector<2x1024xf32>
      %select_n3A_530 = arith.select %or3A_528, %slice3A_523, %slice3A_522 : vector<2x1024xi1>, vector<2x1024xi32>
      %slice3A_531 = vector.extract_strided_slice %select_n3A_529 {offsets = [0, 0], sizes = [1, 1024], strides = [1, 1]} : vector<2x1024xf32> to vector<1x1024xf32>
      %slice3A_532 = vector.extract_strided_slice %select_n3A_529 {offsets = [1, 0], sizes = [1, 1024], strides = [1, 1]} : vector<2x1024xf32> to vector<1x1024xf32>
      %slice3A_533 = vector.extract_strided_slice %select_n3A_530 {offsets = [0, 0], sizes = [1, 1024], strides = [1, 1]} : vector<2x1024xi32> to vector<1x1024xi32>
      %slice3A_534 = vector.extract_strided_slice %select_n3A_530 {offsets = [1, 0], sizes = [1, 1024], strides = [1, 1]} : vector<2x1024xi32> to vector<1x1024xi32>
      %gt3A_535 = arith.cmpf ogt, %slice3A_532, %slice3A_531 : vector<1x1024xf32>
      %eq3A_536 = arith.cmpf oeq, %slice3A_532, %slice3A_531 : vector<1x1024xf32>
      %lt3A_537 = arith.cmpi slt, %slice3A_534, %slice3A_533 : vector<1x1024xi32>
      %and3A_538 = arith.andi %eq3A_536, %lt3A_537 : vector<1x1024xi1>
      %or3A_539 = arith.ori %gt3A_535, %and3A_538 : vector<1x1024xi1>
      %select_n3A_540 = arith.select %or3A_539, %slice3A_532, %slice3A_531 : vector<1x1024xi1>, vector<1x1024xf32>
      %select_n3A_541 = arith.select %or3A_539, %slice3A_534, %slice3A_533 : vector<1x1024xi1>, vector<1x1024xi32>
      %eq3A_542 = vector.broadcast %select_n3A_541 : vector<1x1024xi32> to vector<10x1024xi32>
      %eq3A_543 = arith.cmpi eq, %concatenate3A_495, %eq3A_542 : vector<10x1024xi32>
      %jit3A_544 = arith.constant 0xFF800000 : f32
      %broadcast_in_dim3A_545 = vector.broadcast %jit3A_544 : f32 to vector<10x1024xf32>
      %select_n3A_546 = arith.select %eq3A_543, %broadcast_in_dim3A_545, %concatenate3A_491 : vector<10x1024xi1>, vector<10x1024xf32>
      %broadcast_in_dim3A_547 = arith.constant 0xFF800000 : f32
      %broadcast_in_dim3A_548 = vector.broadcast %broadcast_in_dim3A_547 : f32 to vector<6x1024xf32>
      %concatenate3A_549 = tpu.concatenate %select_n3A_546, %broadcast_in_dim3A_548 in 0 : vector<10x1024xf32>, vector<6x1024xf32> -> vector<16x1024xf32>
      %broadcast_in_dim3A_550 = arith.constant 1073741824 : i32
      %broadcast_in_dim3A_551 = vector.broadcast %broadcast_in_dim3A_550 : i32 to vector<6x1024xi32>
      %concatenate3A_552 = tpu.concatenate %concatenate3A_495, %broadcast_in_dim3A_551 in 0 : vector<10x1024xi32>, vector<6x1024xi32> -> vector<16x1024xi32>
      %slice3A_553 = vector.extract_strided_slice %concatenate3A_549 {offsets = [0, 0], sizes = [8, 1024], strides = [1, 1]} : vector<16x1024xf32> to vector<8x1024xf32>
      %slice3A_554 = vector.extract_strided_slice %concatenate3A_549 {offsets = [8, 0], sizes = [8, 1024], strides = [1, 1]} : vector<16x1024xf32> to vector<8x1024xf32>
      %slice3A_555 = vector.extract_strided_slice %concatenate3A_552 {offsets = [0, 0], sizes = [8, 1024], strides = [1, 1]} : vector<16x1024xi32> to vector<8x1024xi32>
      %slice3A_556 = vector.extract_strided_slice %concatenate3A_552 {offsets = [8, 0], sizes = [8, 1024], strides = [1, 1]} : vector<16x1024xi32> to vector<8x1024xi32>
      %gt3A_557 = arith.cmpf ogt, %slice3A_554, %slice3A_553 : vector<8x1024xf32>
      %select_n3A_558 = arith.select %gt3A_557, %slice3A_554, %slice3A_553 : vector<8x1024xi1>, vector<8x1024xf32>
      %select_n3A_559 = arith.select %gt3A_557, %slice3A_556, %slice3A_555 : vector<8x1024xi1>, vector<8x1024xi32>
      %slice3A_560 = vector.extract_strided_slice %select_n3A_558 {offsets = [0, 0], sizes = [4, 1024], strides = [1, 1]} : vector<8x1024xf32> to vector<4x1024xf32>
      %slice3A_561 = vector.extract_strided_slice %select_n3A_558 {offsets = [4, 0], sizes = [4, 1024], strides = [1, 1]} : vector<8x1024xf32> to vector<4x1024xf32>
      %slice3A_562 = vector.extract_strided_slice %select_n3A_559 {offsets = [0, 0], sizes = [4, 1024], strides = [1, 1]} : vector<8x1024xi32> to vector<4x1024xi32>
      %slice3A_563 = vector.extract_strided_slice %select_n3A_559 {offsets = [4, 0], sizes = [4, 1024], strides = [1, 1]} : vector<8x1024xi32> to vector<4x1024xi32>
      %gt3A_564 = arith.cmpf ogt, %slice3A_561, %slice3A_560 : vector<4x1024xf32>
      %eq3A_565 = arith.cmpf oeq, %slice3A_561, %slice3A_560 : vector<4x1024xf32>
      %lt3A_566 = arith.cmpi slt, %slice3A_563, %slice3A_562 : vector<4x1024xi32>
      %and3A_567 = arith.andi %eq3A_565, %lt3A_566 : vector<4x1024xi1>
      %or3A_568 = arith.ori %gt3A_564, %and3A_567 : vector<4x1024xi1>
      %select_n3A_569 = arith.select %or3A_568, %slice3A_561, %slice3A_560 : vector<4x1024xi1>, vector<4x1024xf32>
      %select_n3A_570 = arith.select %or3A_568, %slice3A_563, %slice3A_562 : vector<4x1024xi1>, vector<4x1024xi32>
      %slice3A_571 = vector.extract_strided_slice %select_n3A_569 {offsets = [0, 0], sizes = [2, 1024], strides = [1, 1]} : vector<4x1024xf32> to vector<2x1024xf32>
      %slice3A_572 = vector.extract_strided_slice %select_n3A_569 {offsets = [2, 0], sizes = [2, 1024], strides = [1, 1]} : vector<4x1024xf32> to vector<2x1024xf32>
      %slice3A_573 = vector.extract_strided_slice %select_n3A_570 {offsets = [0, 0], sizes = [2, 1024], strides = [1, 1]} : vector<4x1024xi32> to vector<2x1024xi32>
      %slice3A_574 = vector.extract_strided_slice %select_n3A_570 {offsets = [2, 0], sizes = [2, 1024], strides = [1, 1]} : vector<4x1024xi32> to vector<2x1024xi32>
      %gt3A_575 = arith.cmpf ogt, %slice3A_572, %slice3A_571 : vector<2x1024xf32>
      %eq3A_576 = arith.cmpf oeq, %slice3A_572, %slice3A_571 : vector<2x1024xf32>
      %lt3A_577 = arith.cmpi slt, %slice3A_574, %slice3A_573 : vector<2x1024xi32>
      %and3A_578 = arith.andi %eq3A_576, %lt3A_577 : vector<2x1024xi1>
      %or3A_579 = arith.ori %gt3A_575, %and3A_578 : vector<2x1024xi1>
      %select_n3A_580 = arith.select %or3A_579, %slice3A_572, %slice3A_571 : vector<2x1024xi1>, vector<2x1024xf32>
      %select_n3A_581 = arith.select %or3A_579, %slice3A_574, %slice3A_573 : vector<2x1024xi1>, vector<2x1024xi32>
      %slice3A_582 = vector.extract_strided_slice %select_n3A_580 {offsets = [0, 0], sizes = [1, 1024], strides = [1, 1]} : vector<2x1024xf32> to vector<1x1024xf32>
      %slice3A_583 = vector.extract_strided_slice %select_n3A_580 {offsets = [1, 0], sizes = [1, 1024], strides = [1, 1]} : vector<2x1024xf32> to vector<1x1024xf32>
      %slice3A_584 = vector.extract_strided_slice %select_n3A_581 {offsets = [0, 0], sizes = [1, 1024], strides = [1, 1]} : vector<2x1024xi32> to vector<1x1024xi32>
      %slice3A_585 = vector.extract_strided_slice %select_n3A_581 {offsets = [1, 0], sizes = [1, 1024], strides = [1, 1]} : vector<2x1024xi32> to vector<1x1024xi32>
      %gt3A_586 = arith.cmpf ogt, %slice3A_583, %slice3A_582 : vector<1x1024xf32>
      %eq3A_587 = arith.cmpf oeq, %slice3A_583, %slice3A_582 : vector<1x1024xf32>
      %lt3A_588 = arith.cmpi slt, %slice3A_585, %slice3A_584 : vector<1x1024xi32>
      %and3A_589 = arith.andi %eq3A_587, %lt3A_588 : vector<1x1024xi1>
      %or3A_590 = arith.ori %gt3A_586, %and3A_589 : vector<1x1024xi1>
      %select_n3A_591 = arith.select %or3A_590, %slice3A_583, %slice3A_582 : vector<1x1024xi1>, vector<1x1024xf32>
      %select_n3A_592 = arith.select %or3A_590, %slice3A_585, %slice3A_584 : vector<1x1024xi1>, vector<1x1024xi32>
      %eq3A_593 = vector.broadcast %select_n3A_592 : vector<1x1024xi32> to vector<10x1024xi32>
      %eq3A_594 = arith.cmpi eq, %concatenate3A_495, %eq3A_593 : vector<10x1024xi32>
      %jit3A_595 = arith.constant 0xFF800000 : f32
      %broadcast_in_dim3A_596 = vector.broadcast %jit3A_595 : f32 to vector<10x1024xf32>
      %select_n3A_597 = arith.select %eq3A_594, %broadcast_in_dim3A_596, %select_n3A_546 : vector<10x1024xi1>, vector<10x1024xf32>
      %broadcast_in_dim3A_598 = arith.constant 0xFF800000 : f32
      %broadcast_in_dim3A_599 = vector.broadcast %broadcast_in_dim3A_598 : f32 to vector<6x1024xf32>
      %concatenate3A_600 = tpu.concatenate %select_n3A_597, %broadcast_in_dim3A_599 in 0 : vector<10x1024xf32>, vector<6x1024xf32> -> vector<16x1024xf32>
      %broadcast_in_dim3A_601 = arith.constant 1073741824 : i32
      %broadcast_in_dim3A_602 = vector.broadcast %broadcast_in_dim3A_601 : i32 to vector<6x1024xi32>
      %concatenate3A_603 = tpu.concatenate %concatenate3A_495, %broadcast_in_dim3A_602 in 0 : vector<10x1024xi32>, vector<6x1024xi32> -> vector<16x1024xi32>
      %slice3A_604 = vector.extract_strided_slice %concatenate3A_600 {offsets = [0, 0], sizes = [8, 1024], strides = [1, 1]} : vector<16x1024xf32> to vector<8x1024xf32>
      %slice3A_605 = vector.extract_strided_slice %concatenate3A_600 {offsets = [8, 0], sizes = [8, 1024], strides = [1, 1]} : vector<16x1024xf32> to vector<8x1024xf32>
      %slice3A_606 = vector.extract_strided_slice %concatenate3A_603 {offsets = [0, 0], sizes = [8, 1024], strides = [1, 1]} : vector<16x1024xi32> to vector<8x1024xi32>
      %slice3A_607 = vector.extract_strided_slice %concatenate3A_603 {offsets = [8, 0], sizes = [8, 1024], strides = [1, 1]} : vector<16x1024xi32> to vector<8x1024xi32>
      %gt3A_608 = arith.cmpf ogt, %slice3A_605, %slice3A_604 : vector<8x1024xf32>
      %select_n3A_609 = arith.select %gt3A_608, %slice3A_605, %slice3A_604 : vector<8x1024xi1>, vector<8x1024xf32>
      %select_n3A_610 = arith.select %gt3A_608, %slice3A_607, %slice3A_606 : vector<8x1024xi1>, vector<8x1024xi32>
      %slice3A_611 = vector.extract_strided_slice %select_n3A_609 {offsets = [0, 0], sizes = [4, 1024], strides = [1, 1]} : vector<8x1024xf32> to vector<4x1024xf32>
      %slice3A_612 = vector.extract_strided_slice %select_n3A_609 {offsets = [4, 0], sizes = [4, 1024], strides = [1, 1]} : vector<8x1024xf32> to vector<4x1024xf32>
      %slice3A_613 = vector.extract_strided_slice %select_n3A_610 {offsets = [0, 0], sizes = [4, 1024], strides = [1, 1]} : vector<8x1024xi32> to vector<4x1024xi32>
      %slice3A_614 = vector.extract_strided_slice %select_n3A_610 {offsets = [4, 0], sizes = [4, 1024], strides = [1, 1]} : vector<8x1024xi32> to vector<4x1024xi32>
      %gt3A_615 = arith.cmpf ogt, %slice3A_612, %slice3A_611 : vector<4x1024xf32>
      %eq3A_616 = arith.cmpf oeq, %slice3A_612, %slice3A_611 : vector<4x1024xf32>
      %lt3A_617 = arith.cmpi slt, %slice3A_614, %slice3A_613 : vector<4x1024xi32>
      %and3A_618 = arith.andi %eq3A_616, %lt3A_617 : vector<4x1024xi1>
      %or3A_619 = arith.ori %gt3A_615, %and3A_618 : vector<4x1024xi1>
      %select_n3A_620 = arith.select %or3A_619, %slice3A_612, %slice3A_611 : vector<4x1024xi1>, vector<4x1024xf32>
      %select_n3A_621 = arith.select %or3A_619, %slice3A_614, %slice3A_613 : vector<4x1024xi1>, vector<4x1024xi32>
      %slice3A_622 = vector.extract_strided_slice %select_n3A_620 {offsets = [0, 0], sizes = [2, 1024], strides = [1, 1]} : vector<4x1024xf32> to vector<2x1024xf32>
      %slice3A_623 = vector.extract_strided_slice %select_n3A_620 {offsets = [2, 0], sizes = [2, 1024], strides = [1, 1]} : vector<4x1024xf32> to vector<2x1024xf32>
      %slice3A_624 = vector.extract_strided_slice %select_n3A_621 {offsets = [0, 0], sizes = [2, 1024], strides = [1, 1]} : vector<4x1024xi32> to vector<2x1024xi32>
      %slice3A_625 = vector.extract_strided_slice %select_n3A_621 {offsets = [2, 0], sizes = [2, 1024], strides = [1, 1]} : vector<4x1024xi32> to vector<2x1024xi32>
      %gt3A_626 = arith.cmpf ogt, %slice3A_623, %slice3A_622 : vector<2x1024xf32>
      %eq3A_627 = arith.cmpf oeq, %slice3A_623, %slice3A_622 : vector<2x1024xf32>
      %lt3A_628 = arith.cmpi slt, %slice3A_625, %slice3A_624 : vector<2x1024xi32>
      %and3A_629 = arith.andi %eq3A_627, %lt3A_628 : vector<2x1024xi1>
      %or3A_630 = arith.ori %gt3A_626, %and3A_629 : vector<2x1024xi1>
      %select_n3A_631 = arith.select %or3A_630, %slice3A_623, %slice3A_622 : vector<2x1024xi1>, vector<2x1024xf32>
      %select_n3A_632 = arith.select %or3A_630, %slice3A_625, %slice3A_624 : vector<2x1024xi1>, vector<2x1024xi32>
      %slice3A_633 = vector.extract_strided_slice %select_n3A_631 {offsets = [0, 0], sizes = [1, 1024], strides = [1, 1]} : vector<2x1024xf32> to vector<1x1024xf32>
      %slice3A_634 = vector.extract_strided_slice %select_n3A_631 {offsets = [1, 0], sizes = [1, 1024], strides = [1, 1]} : vector<2x1024xf32> to vector<1x1024xf32>
      %slice3A_635 = vector.extract_strided_slice %select_n3A_632 {offsets = [0, 0], sizes = [1, 1024], strides = [1, 1]} : vector<2x1024xi32> to vector<1x1024xi32>
      %slice3A_636 = vector.extract_strided_slice %select_n3A_632 {offsets = [1, 0], sizes = [1, 1024], strides = [1, 1]} : vector<2x1024xi32> to vector<1x1024xi32>
      %gt3A_637 = arith.cmpf ogt, %slice3A_634, %slice3A_633 : vector<1x1024xf32>
      %eq3A_638 = arith.cmpf oeq, %slice3A_634, %slice3A_633 : vector<1x1024xf32>
      %lt3A_639 = arith.cmpi slt, %slice3A_636, %slice3A_635 : vector<1x1024xi32>
      %and3A_640 = arith.andi %eq3A_638, %lt3A_639 : vector<1x1024xi1>
      %or3A_641 = arith.ori %gt3A_637, %and3A_640 : vector<1x1024xi1>
      %select_n3A_642 = arith.select %or3A_641, %slice3A_634, %slice3A_633 : vector<1x1024xi1>, vector<1x1024xf32>
      %select_n3A_643 = arith.select %or3A_641, %slice3A_636, %slice3A_635 : vector<1x1024xi1>, vector<1x1024xi32>
      %eq3A_644 = vector.broadcast %select_n3A_643 : vector<1x1024xi32> to vector<10x1024xi32>
      %eq3A_645 = arith.cmpi eq, %concatenate3A_495, %eq3A_644 : vector<10x1024xi32>
      %jit3A_646 = arith.constant 0xFF800000 : f32
      %broadcast_in_dim3A_647 = vector.broadcast %jit3A_646 : f32 to vector<10x1024xf32>
      %select_n3A_648 = arith.select %eq3A_645, %broadcast_in_dim3A_647, %select_n3A_597 : vector<10x1024xi1>, vector<10x1024xf32>
      %broadcast_in_dim3A_649 = arith.constant 0xFF800000 : f32
      %broadcast_in_dim3A_650 = vector.broadcast %broadcast_in_dim3A_649 : f32 to vector<6x1024xf32>
      %concatenate3A_651 = tpu.concatenate %select_n3A_648, %broadcast_in_dim3A_650 in 0 : vector<10x1024xf32>, vector<6x1024xf32> -> vector<16x1024xf32>
      %broadcast_in_dim3A_652 = arith.constant 1073741824 : i32
      %broadcast_in_dim3A_653 = vector.broadcast %broadcast_in_dim3A_652 : i32 to vector<6x1024xi32>
      %concatenate3A_654 = tpu.concatenate %concatenate3A_495, %broadcast_in_dim3A_653 in 0 : vector<10x1024xi32>, vector<6x1024xi32> -> vector<16x1024xi32>
      %slice3A_655 = vector.extract_strided_slice %concatenate3A_651 {offsets = [0, 0], sizes = [8, 1024], strides = [1, 1]} : vector<16x1024xf32> to vector<8x1024xf32>
      %slice3A_656 = vector.extract_strided_slice %concatenate3A_651 {offsets = [8, 0], sizes = [8, 1024], strides = [1, 1]} : vector<16x1024xf32> to vector<8x1024xf32>
      %slice3A_657 = vector.extract_strided_slice %concatenate3A_654 {offsets = [0, 0], sizes = [8, 1024], strides = [1, 1]} : vector<16x1024xi32> to vector<8x1024xi32>
      %slice3A_658 = vector.extract_strided_slice %concatenate3A_654 {offsets = [8, 0], sizes = [8, 1024], strides = [1, 1]} : vector<16x1024xi32> to vector<8x1024xi32>
      %gt3A_659 = arith.cmpf ogt, %slice3A_656, %slice3A_655 : vector<8x1024xf32>
      %select_n3A_660 = arith.select %gt3A_659, %slice3A_656, %slice3A_655 : vector<8x1024xi1>, vector<8x1024xf32>
      %select_n3A_661 = arith.select %gt3A_659, %slice3A_658, %slice3A_657 : vector<8x1024xi1>, vector<8x1024xi32>
      %slice3A_662 = vector.extract_strided_slice %select_n3A_660 {offsets = [0, 0], sizes = [4, 1024], strides = [1, 1]} : vector<8x1024xf32> to vector<4x1024xf32>
      %slice3A_663 = vector.extract_strided_slice %select_n3A_660 {offsets = [4, 0], sizes = [4, 1024], strides = [1, 1]} : vector<8x1024xf32> to vector<4x1024xf32>
      %slice3A_664 = vector.extract_strided_slice %select_n3A_661 {offsets = [0, 0], sizes = [4, 1024], strides = [1, 1]} : vector<8x1024xi32> to vector<4x1024xi32>
      %slice3A_665 = vector.extract_strided_slice %select_n3A_661 {offsets = [4, 0], sizes = [4, 1024], strides = [1, 1]} : vector<8x1024xi32> to vector<4x1024xi32>
      %gt3A_666 = arith.cmpf ogt, %slice3A_663, %slice3A_662 : vector<4x1024xf32>
      %eq3A_667 = arith.cmpf oeq, %slice3A_663, %slice3A_662 : vector<4x1024xf32>
      %lt3A_668 = arith.cmpi slt, %slice3A_665, %slice3A_664 : vector<4x1024xi32>
      %and3A_669 = arith.andi %eq3A_667, %lt3A_668 : vector<4x1024xi1>
      %or3A_670 = arith.ori %gt3A_666, %and3A_669 : vector<4x1024xi1>
      %select_n3A_671 = arith.select %or3A_670, %slice3A_663, %slice3A_662 : vector<4x1024xi1>, vector<4x1024xf32>
      %select_n3A_672 = arith.select %or3A_670, %slice3A_665, %slice3A_664 : vector<4x1024xi1>, vector<4x1024xi32>
      %slice3A_673 = vector.extract_strided_slice %select_n3A_671 {offsets = [0, 0], sizes = [2, 1024], strides = [1, 1]} : vector<4x1024xf32> to vector<2x1024xf32>
      %slice3A_674 = vector.extract_strided_slice %select_n3A_671 {offsets = [2, 0], sizes = [2, 1024], strides = [1, 1]} : vector<4x1024xf32> to vector<2x1024xf32>
      %slice3A_675 = vector.extract_strided_slice %select_n3A_672 {offsets = [0, 0], sizes = [2, 1024], strides = [1, 1]} : vector<4x1024xi32> to vector<2x1024xi32>
      %slice3A_676 = vector.extract_strided_slice %select_n3A_672 {offsets = [2, 0], sizes = [2, 1024], strides = [1, 1]} : vector<4x1024xi32> to vector<2x1024xi32>
      %gt3A_677 = arith.cmpf ogt, %slice3A_674, %slice3A_673 : vector<2x1024xf32>
      %eq3A_678 = arith.cmpf oeq, %slice3A_674, %slice3A_673 : vector<2x1024xf32>
      %lt3A_679 = arith.cmpi slt, %slice3A_676, %slice3A_675 : vector<2x1024xi32>
      %and3A_680 = arith.andi %eq3A_678, %lt3A_679 : vector<2x1024xi1>
      %or3A_681 = arith.ori %gt3A_677, %and3A_680 : vector<2x1024xi1>
      %select_n3A_682 = arith.select %or3A_681, %slice3A_674, %slice3A_673 : vector<2x1024xi1>, vector<2x1024xf32>
      %select_n3A_683 = arith.select %or3A_681, %slice3A_676, %slice3A_675 : vector<2x1024xi1>, vector<2x1024xi32>
      %slice3A_684 = vector.extract_strided_slice %select_n3A_682 {offsets = [0, 0], sizes = [1, 1024], strides = [1, 1]} : vector<2x1024xf32> to vector<1x1024xf32>
      %slice3A_685 = vector.extract_strided_slice %select_n3A_682 {offsets = [1, 0], sizes = [1, 1024], strides = [1, 1]} : vector<2x1024xf32> to vector<1x1024xf32>
      %slice3A_686 = vector.extract_strided_slice %select_n3A_683 {offsets = [0, 0], sizes = [1, 1024], strides = [1, 1]} : vector<2x1024xi32> to vector<1x1024xi32>
      %slice3A_687 = vector.extract_strided_slice %select_n3A_683 {offsets = [1, 0], sizes = [1, 1024], strides = [1, 1]} : vector<2x1024xi32> to vector<1x1024xi32>
      %gt3A_688 = arith.cmpf ogt, %slice3A_685, %slice3A_684 : vector<1x1024xf32>
      %eq3A_689 = arith.cmpf oeq, %slice3A_685, %slice3A_684 : vector<1x1024xf32>
      %lt3A_690 = arith.cmpi slt, %slice3A_687, %slice3A_686 : vector<1x1024xi32>
      %and3A_691 = arith.andi %eq3A_689, %lt3A_690 : vector<1x1024xi1>
      %or3A_692 = arith.ori %gt3A_688, %and3A_691 : vector<1x1024xi1>
      %select_n3A_693 = arith.select %or3A_692, %slice3A_685, %slice3A_684 : vector<1x1024xi1>, vector<1x1024xf32>
      %select_n3A_694 = arith.select %or3A_692, %slice3A_687, %slice3A_686 : vector<1x1024xi1>, vector<1x1024xi32>
      %eq3A_695 = vector.broadcast %select_n3A_694 : vector<1x1024xi32> to vector<10x1024xi32>
      %eq3A_696 = arith.cmpi eq, %concatenate3A_495, %eq3A_695 : vector<10x1024xi32>
      %jit3A_697 = arith.constant 0xFF800000 : f32
      %broadcast_in_dim3A_698 = vector.broadcast %jit3A_697 : f32 to vector<10x1024xf32>
      %select_n3A_699 = arith.select %eq3A_696, %broadcast_in_dim3A_698, %select_n3A_648 : vector<10x1024xi1>, vector<10x1024xf32>
      %broadcast_in_dim3A_700 = arith.constant 0xFF800000 : f32
      %broadcast_in_dim3A_701 = vector.broadcast %broadcast_in_dim3A_700 : f32 to vector<6x1024xf32>
      %concatenate3A_702 = tpu.concatenate %select_n3A_699, %broadcast_in_dim3A_701 in 0 : vector<10x1024xf32>, vector<6x1024xf32> -> vector<16x1024xf32>
      %broadcast_in_dim3A_703 = arith.constant 1073741824 : i32
      %broadcast_in_dim3A_704 = vector.broadcast %broadcast_in_dim3A_703 : i32 to vector<6x1024xi32>
      %concatenate3A_705 = tpu.concatenate %concatenate3A_495, %broadcast_in_dim3A_704 in 0 : vector<10x1024xi32>, vector<6x1024xi32> -> vector<16x1024xi32>
      %slice3A_706 = vector.extract_strided_slice %concatenate3A_702 {offsets = [0, 0], sizes = [8, 1024], strides = [1, 1]} : vector<16x1024xf32> to vector<8x1024xf32>
      %slice3A_707 = vector.extract_strided_slice %concatenate3A_702 {offsets = [8, 0], sizes = [8, 1024], strides = [1, 1]} : vector<16x1024xf32> to vector<8x1024xf32>
      %slice3A_708 = vector.extract_strided_slice %concatenate3A_705 {offsets = [0, 0], sizes = [8, 1024], strides = [1, 1]} : vector<16x1024xi32> to vector<8x1024xi32>
      %slice3A_709 = vector.extract_strided_slice %concatenate3A_705 {offsets = [8, 0], sizes = [8, 1024], strides = [1, 1]} : vector<16x1024xi32> to vector<8x1024xi32>
      %gt3A_710 = arith.cmpf ogt, %slice3A_707, %slice3A_706 : vector<8x1024xf32>
      %select_n3A_711 = arith.select %gt3A_710, %slice3A_707, %slice3A_706 : vector<8x1024xi1>, vector<8x1024xf32>
      %select_n3A_712 = arith.select %gt3A_710, %slice3A_709, %slice3A_708 : vector<8x1024xi1>, vector<8x1024xi32>
      %slice3A_713 = vector.extract_strided_slice %select_n3A_711 {offsets = [0, 0], sizes = [4, 1024], strides = [1, 1]} : vector<8x1024xf32> to vector<4x1024xf32>
      %slice3A_714 = vector.extract_strided_slice %select_n3A_711 {offsets = [4, 0], sizes = [4, 1024], strides = [1, 1]} : vector<8x1024xf32> to vector<4x1024xf32>
      %slice3A_715 = vector.extract_strided_slice %select_n3A_712 {offsets = [0, 0], sizes = [4, 1024], strides = [1, 1]} : vector<8x1024xi32> to vector<4x1024xi32>
      %slice3A_716 = vector.extract_strided_slice %select_n3A_712 {offsets = [4, 0], sizes = [4, 1024], strides = [1, 1]} : vector<8x1024xi32> to vector<4x1024xi32>
      %gt3A_717 = arith.cmpf ogt, %slice3A_714, %slice3A_713 : vector<4x1024xf32>
      %eq3A_718 = arith.cmpf oeq, %slice3A_714, %slice3A_713 : vector<4x1024xf32>
      %lt3A_719 = arith.cmpi slt, %slice3A_716, %slice3A_715 : vector<4x1024xi32>
      %and3A_720 = arith.andi %eq3A_718, %lt3A_719 : vector<4x1024xi1>
      %or3A_721 = arith.ori %gt3A_717, %and3A_720 : vector<4x1024xi1>
      %select_n3A_722 = arith.select %or3A_721, %slice3A_714, %slice3A_713 : vector<4x1024xi1>, vector<4x1024xf32>
      %select_n3A_723 = arith.select %or3A_721, %slice3A_716, %slice3A_715 : vector<4x1024xi1>, vector<4x1024xi32>
      %slice3A_724 = vector.extract_strided_slice %select_n3A_722 {offsets = [0, 0], sizes = [2, 1024], strides = [1, 1]} : vector<4x1024xf32> to vector<2x1024xf32>
      %slice3A_725 = vector.extract_strided_slice %select_n3A_722 {offsets = [2, 0], sizes = [2, 1024], strides = [1, 1]} : vector<4x1024xf32> to vector<2x1024xf32>
      %slice3A_726 = vector.extract_strided_slice %select_n3A_723 {offsets = [0, 0], sizes = [2, 1024], strides = [1, 1]} : vector<4x1024xi32> to vector<2x1024xi32>
      %slice3A_727 = vector.extract_strided_slice %select_n3A_723 {offsets = [2, 0], sizes = [2, 1024], strides = [1, 1]} : vector<4x1024xi32> to vector<2x1024xi32>
      %gt3A_728 = arith.cmpf ogt, %slice3A_725, %slice3A_724 : vector<2x1024xf32>
      %eq3A_729 = arith.cmpf oeq, %slice3A_725, %slice3A_724 : vector<2x1024xf32>
      %lt3A_730 = arith.cmpi slt, %slice3A_727, %slice3A_726 : vector<2x1024xi32>
      %and3A_731 = arith.andi %eq3A_729, %lt3A_730 : vector<2x1024xi1>
      %or3A_732 = arith.ori %gt3A_728, %and3A_731 : vector<2x1024xi1>
      %select_n3A_733 = arith.select %or3A_732, %slice3A_725, %slice3A_724 : vector<2x1024xi1>, vector<2x1024xf32>
      %select_n3A_734 = arith.select %or3A_732, %slice3A_727, %slice3A_726 : vector<2x1024xi1>, vector<2x1024xi32>
      %slice3A_735 = vector.extract_strided_slice %select_n3A_733 {offsets = [0, 0], sizes = [1, 1024], strides = [1, 1]} : vector<2x1024xf32> to vector<1x1024xf32>
      %slice3A_736 = vector.extract_strided_slice %select_n3A_733 {offsets = [1, 0], sizes = [1, 1024], strides = [1, 1]} : vector<2x1024xf32> to vector<1x1024xf32>
      %slice3A_737 = vector.extract_strided_slice %select_n3A_734 {offsets = [0, 0], sizes = [1, 1024], strides = [1, 1]} : vector<2x1024xi32> to vector<1x1024xi32>
      %slice3A_738 = vector.extract_strided_slice %select_n3A_734 {offsets = [1, 0], sizes = [1, 1024], strides = [1, 1]} : vector<2x1024xi32> to vector<1x1024xi32>
      %gt3A_739 = arith.cmpf ogt, %slice3A_736, %slice3A_735 : vector<1x1024xf32>
      %eq3A_740 = arith.cmpf oeq, %slice3A_736, %slice3A_735 : vector<1x1024xf32>
      %lt3A_741 = arith.cmpi slt, %slice3A_738, %slice3A_737 : vector<1x1024xi32>
      %and3A_742 = arith.andi %eq3A_740, %lt3A_741 : vector<1x1024xi1>
      %or3A_743 = arith.ori %gt3A_739, %and3A_742 : vector<1x1024xi1>
      %select_n3A_744 = arith.select %or3A_743, %slice3A_736, %slice3A_735 : vector<1x1024xi1>, vector<1x1024xf32>
      %select_n3A_745 = arith.select %or3A_743, %slice3A_738, %slice3A_737 : vector<1x1024xi1>, vector<1x1024xi32>
      %concatenate3A_746 = tpu.concatenate %select_n3A_540, %select_n3A_591, %select_n3A_642, %select_n3A_693, %select_n3A_744 in 0 : vector<1x1024xf32>, vector<1x1024xf32>, vector<1x1024xf32>, vector<1x1024xf32>, vector<1x1024xf32> -> vector<5x1024xf32>
      %concatenate3A_747 = tpu.concatenate %select_n3A_541, %select_n3A_592, %select_n3A_643, %select_n3A_694, %select_n3A_745 in 0 : vector<1x1024xi32>, vector<1x1024xi32>, vector<1x1024xi32>, vector<1x1024xi32>, vector<1x1024xi32> -> vector<5x1024xi32>
      %swap3A = arith.constant 0 : index
      %swap3A_748 = arith.constant 0 : index
      %swap3A_749 = vector.load %arg3[%swap3A, %swap3A_748] : memref<5x1024xf32, #tpu.memory_space<vmem>>, vector<5x1024xf32>
      tpu.vector_store %arg3[%swap3A, %swap3A_748], %concatenate3A_746 {strides = array<i32>} : memref<5x1024xf32, #tpu.memory_space<vmem>>, vector<5x1024xf32>,
      %swap3A_750 = arith.constant 0 : index
      %swap3A_751 = arith.constant 0 : index
      %swap3A_752 = vector.load %arg4[%swap3A_750, %swap3A_751] : memref<5x1024xi32, #tpu.memory_space<vmem>>, vector<5x1024xi32>
      tpu.vector_store %arg4[%swap3A_750, %swap3A_751], %concatenate3A_747 {strides = array<i32>} : memref<5x1024xi32, #tpu.memory_space<vmem>>, vector<5x1024xi32>,
    } else {
    }
    return
  }
  func.func @transform_0(%arg0: i32) -> (i32, i32) {
    %c0_i32 = arith.constant 0 : i32
    %c0_i32_0 = arith.constant 0 : i32
    %c0_i32_1 = arith.constant 0 : i32
    return %c0_i32, %c0_i32_0 : i32, i32
  }
  func.func @transform_1(%arg0: i32) -> (i32, i32) {
    %c0_i32 = arith.constant 0 : i32
    %c0_i32_0 = arith.constant 0 : i32
    return %arg0, %c0_i32 : i32, i32
  }
  func.func @transform_2(%arg0: i32) -> (i32, i32) {
    %c0_i32 = arith.constant 0 : i32
    %c0_i32_0 = arith.constant 0 : i32
    %c0_i32_1 = arith.constant 0 : i32
    return %c0_i32, %c0_i32_0 : i32, i32
  }
  func.func @transform_3(%arg0: i32) -> (i32, i32) {
    %c0_i32 = arith.constant 0 : i32
    %c0_i32_0 = arith.constant 0 : i32
    %c0_i32_1 = arith.constant 0 : i32
    return %c0_i32, %c0_i32_0 : i32, i32
  }
}

</mosaic_0001>

<sc_bundles>
// kernel: kernel.4.cloned.1.call-start
scs
__scs_entry_jumppad:
0x0: {  	(pc) =	sbr.rel $0x88, $3  }
0x1: {  	(tag) =	ssettag $0x0;
	lr =	simm.s32 $0x1  }
0x2: {  	[smem:$0x3F9F] =	sst lr;
	_ =	strace $0xD0000000  }
0x3: {  	_ = 	snop  }
0x4: {  	_ = 	snop  }
0x5: {  	_ = 	snop  }
0x6: {  	_ = 	snop  }
0x7: {  	_ = 	snop  }
__scs_overlays_trampoline_lowered:
0x8: {  	[smem:$0x3FAE] =	sst s0  }
0x9: {  	[smem:$0x3FAF] =	sst s1  }
0xa: {  	[smem:$0x3FB0] =	sst s2  }
0xb: {  	[smem:$0x3FB1] =	sst s3  }
0xc: {  	[smem:$0x3FB2] =	sst s4  }
0xd: {  	[smem:$0x3FB3] =	sst s5  }
0xe: {  	[smem:$0x3FB4] =	sst s6  }
0xf: {  	[smem:$0x3FB5] =	sst s7  }
0x10: {  	[smem:$0x3FB6] =	sst s8  }
0x11: {  	[smem:$0x3FB7] =	sst s9;
	s0 =	simm.s32 @!p0 $0x0  }
0x12: {  	s1 =	sld [smem:$0x3F9D];
	s0 =	simm.s32 @p0 $0x1  }
0x13: {  	[smem:$0x3FB8] =	sst s0;
	s0 =	simm.s32 @!p1 $0x0  }
0x14: {  	s2 =	sld [smem:$0x3F9C];
	s0 =	simm.s32 @p1 $0x1  }
0x15: {  	[smem:$0x3FB9] =	sst s0;
	s0 =	simm.s32 @!p2 $0x0  }
0x16: {  	s3 =	sld [smem:$0x3FDB];
	s0 =	simm.s32 @p2 $0x1  }
0x17: {  	s4 =	simm.s32 $0x1BF5;
	[smem:$0x3FBB] =	sst s0  }
0x18: {  	s0 =	sld [smem:$0x3F9E];
	_ =	swait.ge [sflag:s4], $0x0  }
0x19: {  	s7 =	sld [smem:$0x3F9F]  }
0x1a: {  	s8 =	sadd.s32 $0xFFFFE003, lr  }
0x1b: {  	s9 =	sadd.s32 $0xFFFFFEF7, lr;
	s5 =	simm.s32 $0xFFFFFFFF;
	p2 =	slt.u32 s8, $0xFFFFF086  }
0x1c: {  	p1 =	slt.u32 s9, $0xF7A;
	s5 =	simm.s32 @!p2 $0x0  }
0x1d: {  	s5 =	simm.s32 @p1 $0x1;
	p0 =	seq.s32 s7, s2  }
0x1e: {  	s7 =	smul.u32 @!p0 $0xF7A, s2;
	p2 =	seq.s32 @!p0 s5, $0x0  }
0x1f: {  	s9 =	smul.u32 $0xF7A, s1;
	s8 =	simm.s32 @!p0 $0x1BF5;
	p2 =	por !p2, p0  }
0x20: {  	[sflag:s8] =	ssyncset.s32 @!p0 $0xFFFFF086;
	s6 =	sadd.s32 @!p0 s3, s7;
	s7 =	simm.s32 @!p0 $0x108  }
0x21: {  	s3 =	sadd.s32 s3, s9;
	s6 =	sadd.s32 @!p0 $0x88, s6;
	s7 =	simm.s32 @p2 $0x1082  }
0x22: {  	[simem:s7], [sflag:s8] =	dma.local @!p0 [hbm:s6], $0xF7A  }
0x23: {  	s9 =	sor.u32 $0xD0000000, s2;
	s6 =	simm.s32 $0x108;
	_ =	swait.ge @!p0 [sflag:s8], $0x0  }
0x24: {  	s3 =	sadd.s32 $0x88, s3;
	s6 =	simm.s32 @!p1 $0x1082;
	[sflag:s4] =	ssyncset.s32 $0xFFFFF086  }
0x25: {  	[simem:s6], [sflag:s4] =	dma.local [hbm:s3], $0xF7A  }
0x26: {  	[smem:$0x3F9F] =	sst s1;
	(tag) =	ssettag s2;
	_ =	strace s9  }
0x27: {  	s1 =	sld [smem:$0x3FAF]  }
0x28: {  	s2 =	sld [smem:$0x3FB0]  }
0x29: {  	s4 =	sld [smem:$0x3FB2]  }
0x2a: {  	p0 =	seq.s32 s5, $0x0;
	s5 =	sld [smem:$0x3FB3]  }
0x2b: {  	s6 =	sld [smem:$0x3FB4]  }
0x2c: {  	s7 =	sld [smem:$0x3FB5]  }
0x2d: {  	s3 =	simm.s32 $0x108;
	s8 =	sld [smem:$0x3FB6]  }
0x2e: {  	s3 =	simm.s32 @!p0 $0x1082;
	s9 =	sld [smem:$0x3FB7]  }
0x2f: {  	lr =	sadd.s32 s0, s3;
	s0 =	sld [smem:$0x3FAE]  }
0x30: {  	s3 =	sld [smem:$0x3FB1]  }
0x31: {  	[smem:$0x3FBA] =	sst s10  }
0x32: {  	s10 =	sld [smem:$0x3FB8];
	_ =	sdelay $0x3  }
0x33: {  	p0 =	seq.s32 s10, $0x1;
	s10 =	sld [smem:$0x3FBA];
	_ =	sdelay $0x3  }
0x34: {  	[smem:$0x3FBA] =	sst s10  }
0x35: {  	s10 =	sld [smem:$0x3FB9];
	_ =	sdelay $0x3  }
0x36: {  	p1 =	seq.s32 s10, $0x1;
	s10 =	sld [smem:$0x3FBA];
	_ =	sdelay $0x3  }
0x37: {  	[smem:$0x3FBA] =	sst s10  }
0x38: {  	s10 =	sld [smem:$0x3FBB]  }
0x39: {  	_ = 	snop;
	(pc) =	sbr.ind lr, $3  }
0x3a: {  	_ = 	snop  }
0x3b: {  	_ = 	snop  }
0x3c: {  	p2 =	seq.s32 s10, $0x1;
	s10 =	sld [smem:$0x3FBA]  }
0x3d: {  	_ =	shalt  }
0x3e: {  	_ =	shalt  }
0x3f: {  	_ =	shalt  }
0x40: {  	_ =	shalt  }
0x41: {  	_ =	shalt  }
0x42: {  	_ =	shalt  }
0x43: {  	_ =	shalt  }
0x44: {  	_ =	shalt  }
0x45: {  	_ =	shalt  }
0x46: {  	_ =	shalt  }
0x47: {  	_ =	shalt  }
0x48: {  	_ =	shalt  }
0x49: {  	_ =	shalt  }
0x4a: {  	_ =	shalt  }
0x4b: {  	_ =	shalt  }
0x4c: {  	_ =	shalt  }
0x4d: {  	_ =	shalt  }
0x4e: {  	_ =	shalt  }
0x4f: {  	_ =	shalt  }
0x50: {  	_ =	shalt  }
0x51: {  	_ =	shalt  }
0x52: {  	_ =	shalt  }
0x53: {  	_ =	shalt  }
0x54: {  	_ =	shalt  }
0x55: {  	_ =	shalt  }
0x56: {  	_ =	shalt  }
0x57: {  	_ =	shalt  }
0x58: {  	_ =	shalt  }
0x59: {  	_ =	shalt  }
0x5a: {  	_ =	shalt  }
0x5b: {  	_ =	shalt  }
0x5c: {  	_ =	shalt  }
0x5d: {  	_ =	shalt  }
0x5e: {  	_ =	shalt  }
0x5f: {  	_ =	shalt  }
0x60: {  	_ =	shalt  }
0x61: {  	_ =	shalt  }
0x62: {  	_ =	shalt  }
0x63: {  	_ =	shalt  }
0x64: {  	_ =	shalt  }
0x65: {  	_ =	shalt  }
0x66: {  	_ =	shalt  }
0x67: {  	_ =	shalt  }
0x68: {  	_ =	shalt  }
0x69: {  	_ =	shalt  }
0x6a: {  	_ =	shalt  }
0x6b: {  	_ =	shalt  }
0x6c: {  	_ =	shalt  }
0x6d: {  	_ =	shalt  }
0x6e: {  	_ =	shalt  }
0x6f: {  	_ =	shalt  }
0x70: {  	_ =	shalt  }
0x71: {  	_ =	shalt  }
0x72: {  	_ =	shalt  }
0x73: {  	_ =	shalt  }
0x74: {  	_ =	shalt  }
0x75: {  	_ =	shalt  }
0x76: {  	_ =	shalt  }
0x77: {  	_ =	shalt  }
0x78: {  	_ =	shalt  }
0x79: {  	_ =	shalt  }
0x7a: {  	_ =	shalt  }
0x7b: {  	_ =	shalt  }
0x7c: {  	_ =	shalt  }
0x7d: {  	_ =	shalt  }
0x7e: {  	_ =	shalt  }
0x7f: {  	_ =	shalt  }
0x80: {  	_ =	shalt  }
0x81: {  	_ =	shalt  }
0x82: {  	_ =	shalt  }
0x83: {  	_ =	shalt  }
0x84: {  	_ =	shalt  }
0x85: {  	_ =	shalt  }
0x86: {  	_ =	shalt  }
0x87: {  	_ =	shalt  }
.Lfunc_end0:
.L_simem_size_0:
called_computation_lowered:
.L_overlay_start_0:
0x88: {  	s2 =	sld [smem:$0x3FD9]  }
0x89: {  	s3 =	sld [smem:$0x3FFE];
	_ =	sdelay $0x1  }
0x8a: {  	s1 =	srdreg.scid  }
0x8b: {  	s0 =	sand.u32 $0x1, s1  }
0x8c: {  	s14 =	sshll.u32 s0, $0xA;
	s2 =	sadd.s32 s3, s2  }
0x8d: {  	s2 =	sadd.s32 s2, s14  }
0x8e: {  	[smem:$0x3FC6] =	sst s2  }
0x8f: {  	_ = 	snop  }
0x90: {  	s2 =	sld [smem:$0x3FD0];
	_ =	sdelay $0x2  }
0x91: {  	s4 =	simm.s32 $0xA;
	s5 =	simm.s32 $0x10;
	s15 =	sld [smem:$0x3FC8]  }
0x92: {  	[smem:s5], [sflag:s4] =	dma.local [hbm:s2], $0x1  }
0x93: {  	_ =	swait.eq [sflag:s4], $0x1  }
0x94: {  	[sflag:s4] =	ssyncset.done $0x0  }
0x95: {  	[sflag:s4] =	ssyncadd.s32 $0xFFFFFFFF  }
0x96: {  	s16 =	sld [smem:$0x12];
	(tm) =	ssettm $0x1  }
0x97: {  	s17 =	sld [smem:$0x3FFB];
	_ =	sdelay $0x3  }
0x98: {  	_ =	strace s17  }
0x99: {  	s4 =	sld [smem:$0x3FFC];
	_ =	sdelay $0x3  }
0x9a: {  	_ =	strace s4  }
0x9b: {  	s4 =	sld [smem:$0x3FFD];
	_ =	sdelay $0x3  }
0x9c: {  	_ =	strace s4  }
0x9d: {  	_ =	strace $0x8FFFFFFF  }
0x9e: {  	s18 =	sld [smem:$0x3FDB];
	_ =	sdelay $0x1  }
0x9f: {  	s19 =	simm.s32 $_scs_section_size  }
0xa0: {  	s6 =	simm.s32 $_size__tile_overlayer_lowered;
	s7 =	simm.s32 $_tile_overlayer_lowered  }
0xa1: {  	s22 =	simm.s32 $0x1BFF;
	s21 =	sshll.u32 s7, $0x1;
	s4 =	sadd.s32 s19, s18  }
0xa2: {  	s8 =	simm.s32 $0x0;
	s20 =	sshll.u32 s6, $0x1;
	s6 =	sadd.s32 s21, s4  }
0xa3: {  	[timem:s8], [sflag:s22] =	dma.local [hbm:s6], s20  }
0xa4: {  	_ =	swait.ge [sflag:s22], s20  }
0xa5: {  	s5 =	ssub.s32 $0x0, s20;
	[sflag:s22] =	ssyncset.done $0x0  }
0xa6: {  	[sflag:s22] =	ssyncadd.s32 s5;
	_ =	sdelay $0x1  }
0xa7: {  	s23 =	simm.s32 $0x1B8B  }
0xa8: {  	_ =	swait.ge [sflag:s23], $0x1  }
0xa9: {  	[sflag:s23] =	ssyncset.done $0x0  }
0xaa: {  	s25 =	simm.s32 $0x1B8E;
	s24 =	sld [smem:$0x3FFE];
	[sflag:s23] =	ssyncadd.s32 $0xFFFFFFFF  }
0xab: {  	s26 =	simm.s32 $execute0_lowered;
	[smem:$0x3FD2] =	sst s25  }
0xac: {  	s6 =	sshll.u32 s26, $0x1;
	_ =	strace $0x80000046;
	[dreg:$0x1] =	wrdreg $0xFFFFFFFF  }
0xad: {  	s28 =	simm.s32 $_size_execute0_lowered;
	s4 =	sadd.s32 s4, s6;
	[dreg:$0x0] =	wrdreg $0x0  }
0xae: {  	s6 =	sshll.u32 s28, $0x1;
	[dreg:$0x2] =	wrdreg s4  }
0xaf: {  	[dreg:$0x3] =	wrdreg s6  }
0xb0: {  	[dreg:$0x4] =	wrdreg $0xC0  }
0xb1: {  	_ =	task [dreg:s8], $0x5FFFF  }
0xb2: {  	[dreg:$0x1] =	wrdreg $0xFFFFFFFF  }
0xb3: {  	[dreg:$0x0] =	wrdreg $0x60  }
0xb4: {  	[dreg:$0x2] =	wrdreg s15  }
0xb5: {  	[dreg:$0x3] =	wrdreg s24  }
0xb6: {  	[dreg:$0x4] =	wrdreg s16  }
0xb7: {  	[dreg:$0x5] =	wrdreg $0x9  }
0xb8: {  	_ =	task.clear_ibuf [dreg:s8], $0x6FFFF;
	_ =	strace $0x90000046  }
0xb9: {  	s29 =	simm.s32 $0x9;
	_ =	strace $0x80000048  }
0xba: {  	_ =	swait.ge [sflag:s29], $0x1  }
0xbb: {  	[sflag:s29] =	ssyncadd.s32 $0xFFFFFFFF  }
0xbc: {  	_ =	strace $0x90000048  }
0xbd: {  	_ =	sfence  }
0xbe: {  	s30 =	sld [smem:$0x0];
	_ =	sdelay $0x2  }
0xbf: {  	s31 =	sshll.u32 s1, $0xD;
	s1 =	sshrl.u32 s1, $0x2  }
0xc0: {  	s3 =	sand.u32 $0x4000, s31;
	s1 =	sadd.s32 s1, s30  }
0xc1: {  	s0 =	sor.u32 s3, s0;
	s1 =	sshll.u32 s1, $0x11  }
0xc2: {  	s0 =	sor.u32 s1, s0  }
0xc3: {  	s0 =	sadd.s32 $0x8F2B, s0  }
0xc4: {  	[sflag:s0] =	ssyncadd.remote.s32 $0x1  }
0xc5: {  	_ =	sfence.sel $0xFFFF  }
0xc6: {  	[dreg:$0x0] =	wrdreg $0xFFFFFFFF;
	(pc) =	sbr.abs _section_cstart, $3  }
0xc7: {  	[dreg:$0x1] =	wrdreg $0xFFFFFFFF  }
0xc8: {  	_ =	task.clear_ibuf [dreg:s8], $0x2FFFF;
	_ =	strace $0x9FFFFFFF  }
0xc9: {  	(tm) =	ssettm $0x7FFFFFFF  }
tec
execute0_lowered:
.L_overlay_start_1:
0x0: {  	(tag) =	ssettag $0x1  }
0x1: {  	s1 =	srdreg.scid;
	s0 =	stileid.u32  }
0x2: {  	s2 =	rddreg [dreg:$0x0];
	s1 =	sand.u32 $0x1, s1;
	s3 =	sshll.u32 s0, $0x1  }
0x3: {  	s4 =	rddreg [dreg:$0x1];
	s3 =	sor.u32 s1, s3  }
0x4: {  	s6 =	rddreg [dreg:$0x2];
	s5 =	smul.u32 $0xA0, s3;
	s3 =	simm.s32 $0x0  }
0x5: {  	s10 =	simm.s32 $0x900;
	[smem:$0x7FF] =	sst s3  }
0x6: {  	s11 =	simm.s32 $0x1100;
	_ =	strace $0x80000047;
	[dreg:$0x7] =	wrdreg s10  }
0x7: {  	s12 =	simm.s32 $0x1900;
	[dreg:$0x8] =	wrdreg s11  }
0x8: {  	s13 =	simm.s32 $0x2100;
	[dreg:$0x9] =	wrdreg s12  }
0x9: {  	s14 =	simm.s32 $0x2900;
	[dreg:$0xa] =	wrdreg s13  }
0xa: {  	s15 =	simm.s32 $0x3100;
	[dreg:$0xb] =	wrdreg s14  }
0xb: {  	s16 =	simm.s32 $0x3900;
	[dreg:$0xc] =	wrdreg s15  }
0xc: {  	s17 =	simm.s32 $0x4100;
	[dreg:$0xd] =	wrdreg s16  }
0xd: {  	s18 =	simm.s32 $0x4900;
	[dreg:$0xe] =	wrdreg s17  }
0xe: {  	s19 =	simm.s32 $0x5100;
	[dreg:$0xf] =	wrdreg s18  }
0xf: {  	s20 =	simm.s32 $0x5900;
	[dreg:$0x10] =	wrdreg s19  }
0x10: {  	s21 =	simm.s32 $0x6100;
	[dreg:$0x11] =	wrdreg s20  }
0x11: {  	s22 =	simm.s32 $0x6900;
	[dreg:$0x12] =	wrdreg s21  }
0x12: {  	s23 =	simm.s32 $0x7100;
	[dreg:$0x13] =	wrdreg s22  }
0x13: {  	s24 =	simm.s32 $0x7900;
	[dreg:$0x14] =	wrdreg s23  }
0x14: {  	s25 =	simm.s32 $0x8100;
	[dreg:$0x15] =	wrdreg s24  }
0x15: {  	[dreg:$0x16] =	wrdreg s25;
	s10 =	simm.s32 $0xB900  }
0x16: {  	s11 =	simm.s32 $0xC100;
	[dreg:$0x1d] =	wrdreg s10  }
0x17: {  	s12 =	simm.s32 $0xC900;
	[dreg:$0x1e] =	wrdreg s11  }
0x18: {  	s13 =	simm.s32 $0xD100;
	[dreg:$0x1f] =	wrdreg s12  }
0x19: {  	s28 =	simm.s32 $0x1B900;
	s14 =	simm.s32 $0xD900;
	[smem:$0x7F0] =	sst s13  }
0x1a: {  	s29 =	simm.s32 $0x1C100;
	s15 =	simm.s32 $0xE100;
	[smem:$0x7F1] =	sst s14  }
0x1b: {  	s30 =	simm.s32 $0x1C900;
	s16 =	simm.s32 $0xE900;
	[smem:$0x7F2] =	sst s15  }
0x1c: {  	s31 =	simm.s32 $0x1D100;
	s17 =	simm.s32 $0x80;
	[smem:$0x7F3] =	sst s16  }
0x1d: {  	s1 =	ssub.s32 $0x2, s1;
	s19 =	simm.s32 $0xF900;
	[smem:$0x7F4] =	sst s17  }
0x1e: {  	s5 =	sshrl.u32 s5, $0x3;
	s20 =	simm.s32 $0x10100;
	[smem:$0x7F5] =	sst s19  }
0x1f: {  	s18 =	sshrl.u32 s1, $0x1;
	s21 =	simm.s32 $0x10900;
	[smem:$0x7F6] =	sst s20  }
0x20: {  	s22 =	simm.s32 $0x11900;
	s23 =	simm.s32 $0x12100;
	[smem:$0x7F7] =	sst s21  }
0x21: {  	s24 =	simm.s32 $0x12900;
	s25 =	simm.s32 $0x13100;
	[smem:$0x7F9] =	sst s22  }
0x22: {  	s7 =	sadd.s32 s5, s4;
	s26 =	smul.u32 $0x300, s5;
	[smem:$0x7FA] =	sst s23  }
0x23: {  	s1 =	ssub.s32 s1, s18;
	s5 =	sadd.s32 $0x100, s2;
	[smem:$0x7FB] =	sst s24  }
0x24: {  	s10 =	simm.s32 $0x1;
	s11 =	simm.s32 $0xF100;
	[smem:$0x7FC] =	sst s25  }
0x25: {  	s13 =	simm.s32 $0x14900;
	s14 =	simm.s32 $0x15100;
	s15 =	simm.s32 $0x15900  }
0x26: {  	s16 =	simm.s32 $0x16100;
	s17 =	simm.s32 $0x16900;
	s18 =	simm.s32 $0x17100  }
0x27: {  	s19 =	simm.s32 $0x17900;
	s20 =	simm.s32 $0x18100;
	s0 =	sadd.s32 $0x800, s7  }
0x28: {  	s21 =	simm.s32 $0x18900;
	s8 =	sadd.s32 $0x80A, s7;
	[dreg:$0x4] =	wrdreg s0  }
0x29: {  	s22 =	simm.s32 $0x19100;
	s7 =	simm.s32 $0xA100;
	[dreg:$0x5] =	wrdreg s8  }
0x2a: {  	s4 =	sadd.s32 s6, s26;
	s26 =	simm.s32 $0x8900;
	[dreg:$0x1a] =	wrdreg s7  }
0x2b: {  	s23 =	simm.s32 $0x19900;
	s0 =	simm.s32 $0x9100;
	[dreg:$0x17] =	wrdreg s26  }
0x2c: {  	s24 =	simm.s32 $0x1A100;
	s6 =	simm.s32 $0x9900;
	[dreg:$0x18] =	wrdreg s0  }
0x2d: {  	s25 =	simm.s32 $0x1A900;
	s8 =	simm.s32 $0xA900;
	[dreg:$0x19] =	wrdreg s6  }
0x2e: {  	s7 =	smax.u32 s1, $0x1;
	s9 =	sadd.s32 $0x1E00, s4;
	[dreg:$0x1b] =	wrdreg s8  }
0x2f: {  	s1 =	simm.s32 $0x1D900;
	s8 =	simm.s32 $0x11100;
	[dreg:$0x6] =	wrdreg s9  }
0x30: {  	v2 =	vlaneseq.u32;
	s6 =	sadd.s32 $0x200, s2;
	s26 =	simm.s32 $0x13900;
	[smem:$0x7F8] =	sst s8  }
0x31: {  	vm0 =	vmmov $0xffff;
	v1 =	vshrl.u32 v2, $0x3;
	s9 =	simm.s32 $0xB100;
	s8 =	simm.s32 $0x2;
	[smem:$0x7FD] =	sst s26  }
0x32: {  	v0 =	vand.u32 $0x7, v2;
	v2 =	vor.u32 $0x8, v2;
	v1 =	vmul.u32 $0x8, v1;
	s26 =	simm.s32 $0x1B100;
	[dreg:$0x1c] =	wrdreg s9;
	s9 =	simm.s32 $0x100  }
.LBB2_1:
0x33: {  	s0 =	rddreg [dreg:$0x4]  }
0x34: {  	[tilespmem:s3], [sflag:$0x2] =	stream.linear.gather [hbm4b:s0+s3], $0x50, $0x38;
	[tilespmem:$0x1E100] =	vst v63  }
0x35: {  	_ =	swait.ge [sflag:s8], $0x50  }
0x36: {  	[sflag:s8] =	ssyncset.done $0x0  }
0x37: {  	[sflag:s8] =	ssyncadd.s32 $0xFFFFFFB0  }
0x38: {  	v3 =	vld [tilespmem:$0x0];
	_ =	sdelay $0x4  }
0x39: {  	v4 =	vshrl.u32 v3, $0x3  }
0x3a: {  	v4 =	vmul.u32 $0x30, v4  }
0x3b: {  	v3 =	vand.u32 $0x7, v3  }
0x3c: {  	v3 =	vor.u32 v3, v4  }
0x3d: {  	v4 =	vperm.xlane v3, v0;
	_ =	sdelay $0x1  }
0x3e: {  	v4 =	vadd.s32 v1, v4;
	_ =	sdelay $0x3  }
0x3f: {  	v3 =	vperm.xlane v3, v2  }
0x40: {  	[tilespmem:s9], [sflag:$0x1] =	stream.indirect_vreg.gather [hbm4b:s2+s3], $0x80, v4, vm0, $0xb8;
	[tilespmem:$0x1E100] =	vst v63  }
0x41: {  	s0 =	rddreg [dreg:$0x7];
	v3 =	vadd.s32 v1, v3  }
0x42: {  	[tilespmem:s0], [sflag:$0x1] =	stream.indirect_vreg.gather [hbm4b:s5+s3], $0x80, v4, vm0, $0xb8;
	[tilespmem:$0x1E100] =	vst v63  }
0x43: {  	s12 =	rddreg [dreg:$0x8]  }
0x44: {  	[tilespmem:s12], [sflag:$0x1] =	stream.indirect_vreg.gather [hbm4b:s6+s3], $0x80, v4, vm0, $0xb8;
	[tilespmem:$0x1E100] =	vst v63  }
0x45: {  	s0 =	rddreg [dreg:$0x9]  }
0x46: {  	[tilespmem:s0], [sflag:$0x1] =	stream.indirect_vreg.gather [hbm4b:s2+s3], $0x80, v3, vm0, $0xb8;
	[tilespmem:$0x1E100] =	vst v63  }
0x47: {  	s12 =	rddreg [dreg:$0xa]  }
0x48: {  	[tilespmem:s12], [sflag:$0x1] =	stream.indirect_vreg.gather [hbm4b:s5+s3], $0x80, v3, vm0, $0xb8;
	[tilespmem:$0x1E100] =	vst v63  }
0x49: {  	s0 =	rddreg [dreg:$0xb]  }
0x4a: {  	[tilespmem:s0], [sflag:$0x1] =	stream.indirect_vreg.gather [hbm4b:s6+s3], $0x80, v3, vm0, $0xb8;
	[tilespmem:$0x1E100] =	vst v63  }
0x4b: {  	v3 =	vld [tilespmem:$0x10];
	_ =	sdelay $0x4  }
0x4c: {  	v55 =	vshrl.u32 v3, $0x3  }
0x4d: {  	v4 =	vmul.u32 $0x30, v55  }
0x4e: {  	v3 =	vand.u32 $0x7, v3  }
0x4f: {  	v3 =	vor.u32 v3, v4  }
0x50: {  	v4 =	vperm.xlane v3, v0;
	_ =	sdelay $0x1  }
0x51: {  	v4 =	vadd.s32 v1, v4;
	_ =	sdelay $0x3  }
0x52: {  	s0 =	rddreg [dreg:$0xc];
	v3 =	vperm.xlane v3, v2  }
0x53: {  	[tilespmem:s0], [sflag:$0x1] =	stream.indirect_vreg.gather [hbm4b:s2+s3], $0x80, v4, vm0, $0xb8;
	[tilespmem:$0x1E100] =	vst v63  }
0x54: {  	s12 =	rddreg [dreg:$0xd];
	v3 =	vadd.s32 v1, v3  }
0x55: {  	[tilespmem:s12], [sflag:$0x1] =	stream.indirect_vreg.gather [hbm4b:s5+s3], $0x80, v4, vm0, $0xb8;
	[tilespmem:$0x1E100] =	vst v63  }
0x56: {  	s0 =	rddreg [dreg:$0xe]  }
0x57: {  	[tilespmem:s0], [sflag:$0x1] =	stream.indirect_vreg.gather [hbm4b:s6+s3], $0x80, v4, vm0, $0xb8;
	[tilespmem:$0x1E100] =	vst v63  }
0x58: {  	s12 =	rddreg [dreg:$0xf]  }
0x59: {  	[tilespmem:s12], [sflag:$0x1] =	stream.indirect_vreg.gather [hbm4b:s2+s3], $0x80, v3, vm0, $0xb8;
	[tilespmem:$0x1E100] =	vst v63  }
0x5a: {  	s0 =	rddreg [dreg:$0x10]  }
0x5b: {  	[tilespmem:s0], [sflag:$0x1] =	stream.indirect_vreg.gather [hbm4b:s5+s3], $0x80, v3, vm0, $0xb8;
	[tilespmem:$0x1E100] =	vst v63  }
0x5c: {  	s12 =	rddreg [dreg:$0x11]  }
0x5d: {  	[tilespmem:s12], [sflag:$0x1] =	stream.indirect_vreg.gather [hbm4b:s6+s3], $0x80, v3, vm0, $0xb8;
	[tilespmem:$0x1E100] =	vst v63  }
0x5e: {  	v3 =	vld [tilespmem:$0x20];
	_ =	sdelay $0x4  }
0x5f: {  	v56 =	vshrl.u32 v3, $0x3  }
0x60: {  	v4 =	vmul.u32 $0x30, v56  }
0x61: {  	v3 =	vand.u32 $0x7, v3  }
0x62: {  	v3 =	vor.u32 v3, v4  }
0x63: {  	v4 =	vperm.xlane v3, v0;
	_ =	sdelay $0x1  }
0x64: {  	v4 =	vadd.s32 v1, v4;
	_ =	sdelay $0x3  }
0x65: {  	s0 =	rddreg [dreg:$0x12];
	v3 =	vperm.xlane v3, v2  }
0x66: {  	[tilespmem:s0], [sflag:$0x1] =	stream.indirect_vreg.gather [hbm4b:s2+s3], $0x80, v4, vm0, $0xb8;
	[tilespmem:$0x1E100] =	vst v63  }
0x67: {  	s12 =	rddreg [dreg:$0x13];
	v3 =	vadd.s32 v1, v3  }
0x68: {  	[tilespmem:s12], [sflag:$0x1] =	stream.indirect_vreg.gather [hbm4b:s5+s3], $0x80, v4, vm0, $0xb8;
	[tilespmem:$0x1E100] =	vst v63  }
0x69: {  	s0 =	rddreg [dreg:$0x14]  }
0x6a: {  	[tilespmem:s0], [sflag:$0x1] =	stream.indirect_vreg.gather [hbm4b:s6+s3], $0x80, v4, vm0, $0xb8;
	[tilespmem:$0x1E100] =	vst v63  }
0x6b: {  	s12 =	rddreg [dreg:$0x15]  }
0x6c: {  	[tilespmem:s12], [sflag:$0x1] =	stream.indirect_vreg.gather [hbm4b:s2+s3], $0x80, v3, vm0, $0xb8;
	[tilespmem:$0x1E100] =	vst v63  }
0x6d: {  	s0 =	rddreg [dreg:$0x16]  }
0x6e: {  	[tilespmem:s0], [sflag:$0x1] =	stream.indirect_vreg.gather [hbm4b:s5+s3], $0x80, v3, vm0, $0xb8;
	[tilespmem:$0x1E100] =	vst v63  }
0x6f: {  	s12 =	rddreg [dreg:$0x17]  }
0x70: {  	[tilespmem:s12], [sflag:$0x1] =	stream.indirect_vreg.gather [hbm4b:s6+s3], $0x80, v3, vm0, $0xb8;
	[tilespmem:$0x1E100] =	vst v63  }
0x71: {  	v3 =	vld [tilespmem:$0x30];
	_ =	sdelay $0x4  }
0x72: {  	v57 =	vshrl.u32 v3, $0x3  }
0x73: {  	v4 =	vmul.u32 $0x30, v57  }
0x74: {  	v3 =	vand.u32 $0x7, v3  }
0x75: {  	v3 =	vor.u32 v3, v4  }
0x76: {  	v4 =	vperm.xlane v3, v0;
	_ =	sdelay $0x1  }
0x77: {  	v4 =	vadd.s32 v1, v4;
	_ =	sdelay $0x3  }
0x78: {  	s0 =	rddreg [dreg:$0x18];
	v3 =	vperm.xlane v3, v2  }
0x79: {  	[tilespmem:s0], [sflag:$0x1] =	stream.indirect_vreg.gather [hbm4b:s2+s3], $0x80, v4, vm0, $0xb8;
	[tilespmem:$0x1E100] =	vst v63  }
0x7a: {  	s12 =	rddreg [dreg:$0x19];
	v3 =	vadd.s32 v1, v3  }
0x7b: {  	[tilespmem:s12], [sflag:$0x1] =	stream.indirect_vreg.gather [hbm4b:s5+s3], $0x80, v4, vm0, $0xb8;
	[tilespmem:$0x1E100] =	vst v63  }
0x7c: {  	s0 =	rddreg [dreg:$0x1a]  }
0x7d: {  	[tilespmem:s0], [sflag:$0x1] =	stream.indirect_vreg.gather [hbm4b:s6+s3], $0x80, v4, vm0, $0xb8;
	[tilespmem:$0x1E100] =	vst v63  }
0x7e: {  	s12 =	rddreg [dreg:$0x1b]  }
0x7f: {  	[tilespmem:s12], [sflag:$0x1] =	stream.indirect_vreg.gather [hbm4b:s2+s3], $0x80, v3, vm0, $0xb8;
	[tilespmem:$0x1E100] =	vst v63  }
0x80: {  	s0 =	rddreg [dreg:$0x1c]  }
0x81: {  	[tilespmem:s0], [sflag:$0x1] =	stream.indirect_vreg.gather [hbm4b:s5+s3], $0x80, v3, vm0, $0xb8;
	[tilespmem:$0x1E100] =	vst v63  }
0x82: {  	s12 =	rddreg [dreg:$0x1d]  }
0x83: {  	[tilespmem:s12], [sflag:$0x1] =	stream.indirect_vreg.gather [hbm4b:s6+s3], $0x80, v3, vm0, $0xb8;
	[tilespmem:$0x1E100] =	vst v63  }
0x84: {  	v3 =	vld [tilespmem:$0x40];
	_ =	sdelay $0x4  }
0x85: {  	v58 =	vshrl.u32 v3, $0x3  }
0x86: {  	v4 =	vmul.u32 $0x30, v58  }
0x87: {  	v3 =	vand.u32 $0x7, v3  }
0x88: {  	v3 =	vor.u32 v3, v4  }
0x89: {  	v4 =	vperm.xlane v3, v0;
	_ =	sdelay $0x1  }
0x8a: {  	v4 =	vadd.s32 v1, v4;
	_ =	sdelay $0x2  }
0x8b: {  	s0 =	rddreg [dreg:$0x1e]  }
0x8c: {  	s12 =	rddreg [dreg:$0x1f];
	v3 =	vperm.xlane v3, v2  }
0x8d: {  	[tilespmem:s0], [sflag:$0x1] =	stream.indirect_vreg.gather [hbm4b:s2+s3], $0x80, v4, vm0, $0xb8;
	[tilespmem:$0x1E100] =	vst v63  }
0x8e: {  	v3 =	vadd.s32 v1, v3;
	s0 =	sld [smem:$0x7F0]  }
0x8f: {  	[tilespmem:s12], [sflag:$0x1] =	stream.indirect_vreg.gather [hbm4b:s5+s3], $0x80, v4, vm0, $0xb8;
	[tilespmem:$0x1E100] =	vst v63  }
0x90: {  	s12 =	sld [smem:$0x7F1]  }
0x91: {  	[tilespmem:s0], [sflag:$0x1] =	stream.indirect_vreg.gather [hbm4b:s6+s3], $0x80, v4, vm0, $0xb8;
	[tilespmem:$0x1E100] =	vst v63  }
0x92: {  	s0 =	sld [smem:$0x7F2]  }
0x93: {  	[tilespmem:s12], [sflag:$0x1] =	stream.indirect_vreg.gather [hbm4b:s2+s3], $0x80, v3, vm0, $0xb8;
	[tilespmem:$0x1E100] =	vst v63  }
0x94: {  	s12 =	sld [smem:$0x7F3]  }
0x95: {  	[tilespmem:s0], [sflag:$0x1] =	stream.indirect_vreg.gather [hbm4b:s5+s3], $0x80, v3, vm0, $0xb8;
	[tilespmem:$0x1E100] =	vst v63  }
0x96: {  	_ = 	snop  }
0x97: {  	[tilespmem:s12], [sflag:$0x1] =	stream.indirect_vreg.gather [hbm4b:s6+s3], $0x80, v3, vm0, $0xb8;
	[tilespmem:$0x1E100] =	vst v63  }
0x98: {  	_ =	swait.ge [sflag:s10], $0xF000  }
0x99: {  	[sflag:s10] =	ssyncset.done $0x0  }
0x9a: {  	[sflag:s10] =	ssyncadd.s32 $0xFFFF1000  }
0x9b: {  	[hbm4b:s4+s3] =	stream.linear.scatter [tilespmem:s9], [sflag:$0x2], $0xF000, $0x38;
	[tilespmem:$0x1E100] =	vst v63  }
0x9c: {  	_ =	swait.ge [sflag:s8], $0xF000  }
0x9d: {  	s12 =	sld [smem:$0x7F4]  }
0x9e: {  	[sflag:s8] =	ssyncset.done $0x0  }
0x9f: {  	s0 =	rddreg [dreg:$0x5];
	[sflag:s8] =	ssyncadd.s32 $0xFFFF1000  }
0xa0: {  	[tilespmem:s12], [sflag:$0x2] =	stream.linear.gather [hbm4b:s0+s3], $0x50, $0x38;
	[tilespmem:$0x1E100] =	vst v63  }
0xa1: {  	_ =	swait.ge [sflag:s8], $0x50  }
0xa2: {  	[sflag:s8] =	ssyncset.done $0x0  }
0xa3: {  	[sflag:s8] =	ssyncadd.s32 $0xFFFFFFB0  }
0xa4: {  	v3 =	vld [tilespmem:$0x80];
	_ =	sdelay $0x4  }
0xa5: {  	v59 =	vshrl.u32 v3, $0x3  }
0xa6: {  	v4 =	vmul.u32 $0x30, v59  }
0xa7: {  	v3 =	vand.u32 $0x7, v3  }
0xa8: {  	v3 =	vor.u32 v3, v4  }
0xa9: {  	v4 =	vperm.xlane v3, v0;
	_ =	sdelay $0x1  }
0xaa: {  	v4 =	vadd.s32 v1, v4;
	_ =	sdelay $0x3  }
0xab: {  	s0 =	sld [smem:$0x7F5];
	v3 =	vperm.xlane v3, v2  }
0xac: {  	[tilespmem:s11], [sflag:$0x1] =	stream.indirect_vreg.gather [hbm4b:s2+s3], $0x80, v4, vm0, $0xb8;
	[tilespmem:$0x1E100] =	vst v63  }
0xad: {  	s12 =	sld [smem:$0x7F6];
	v3 =	vadd.s32 v1, v3  }
0xae: {  	[tilespmem:s0], [sflag:$0x1] =	stream.indirect_vreg.gather [hbm4b:s5+s3], $0x80, v4, vm0, $0xb8;
	[tilespmem:$0x1E100] =	vst v63  }
0xaf: {  	s0 =	sld [smem:$0x7F7]  }
0xb0: {  	[tilespmem:s12], [sflag:$0x1] =	stream.indirect_vreg.gather [hbm4b:s6+s3], $0x80, v4, vm0, $0xb8;
	[tilespmem:$0x1E100] =	vst v63  }
0xb1: {  	s12 =	sld [smem:$0x7F8]  }
0xb2: {  	[tilespmem:s0], [sflag:$0x1] =	stream.indirect_vreg.gather [hbm4b:s2+s3], $0x80, v3, vm0, $0xb8;
	[tilespmem:$0x1E100] =	vst v63  }
0xb3: {  	s0 =	sld [smem:$0x7F9]  }
0xb4: {  	[tilespmem:s12], [sflag:$0x1] =	stream.indirect_vreg.gather [hbm4b:s5+s3], $0x80, v3, vm0, $0xb8;
	[tilespmem:$0x1E100] =	vst v63  }
0xb5: {  	_ = 	snop  }
0xb6: {  	[tilespmem:s0], [sflag:$0x1] =	stream.indirect_vreg.gather [hbm4b:s6+s3], $0x80, v3, vm0, $0xb8;
	[tilespmem:$0x1E100] =	vst v63  }
0xb7: {  	v3 =	vld [tilespmem:$0x90];
	_ =	sdelay $0x4  }
0xb8: {  	v60 =	vshrl.u32 v3, $0x3  }
0xb9: {  	v4 =	vmul.u32 $0x30, v60  }
0xba: {  	v3 =	vand.u32 $0x7, v3  }
0xbb: {  	v3 =	vor.u32 v3, v4  }
0xbc: {  	v4 =	vperm.xlane v3, v0;
	_ =	sdelay $0x1  }
0xbd: {  	v4 =	vadd.s32 v1, v4;
	_ =	sdelay $0x1  }
0xbe: {  	s0 =	sld [smem:$0x7FA];
	_ =	sdelay $0x1  }
0xbf: {  	s12 =	sld [smem:$0x7FB];
	v3 =	vperm.xlane v3, v2  }
0xc0: {  	[tilespmem:s0], [sflag:$0x1] =	stream.indirect_vreg.gather [hbm4b:s2+s3], $0x80, v4, vm0, $0xb8;
	[tilespmem:$0x1E100] =	vst v63  }
0xc1: {  	v3 =	vadd.s32 v1, v3;
	s0 =	sld [smem:$0x7FC]  }
0xc2: {  	[tilespmem:s12], [sflag:$0x1] =	stream.indirect_vreg.gather [hbm4b:s5+s3], $0x80, v4, vm0, $0xb8;
	[tilespmem:$0x1E100] =	vst v63  }
0xc3: {  	s12 =	sld [smem:$0x7FD]  }
0xc4: {  	[tilespmem:s0], [sflag:$0x1] =	stream.indirect_vreg.gather [hbm4b:s6+s3], $0x80, v4, vm0, $0xb8;
	[tilespmem:$0x1E100] =	vst v63  }
0xc5: {  	_ = 	snop  }
0xc6: {  	[tilespmem:s12], [sflag:$0x1] =	stream.indirect_vreg.gather [hbm4b:s2+s3], $0x80, v3, vm0, $0xb8;
	[tilespmem:$0x1E100] =	vst v63  }
0xc7: {  	s12 =	simm.s32 $0x14100  }
0xc8: {  	[tilespmem:s12], [sflag:$0x1] =	stream.indirect_vreg.gather [hbm4b:s5+s3], $0x80, v3, vm0, $0xb8;
	[tilespmem:$0x1E100] =	vst v63  }
0xc9: {  	_ = 	snop  }
0xca: {  	[tilespmem:s13], [sflag:$0x1] =	stream.indirect_vreg.gather [hbm4b:s6+s3], $0x80, v3, vm0, $0xb8;
	[tilespmem:$0x1E100] =	vst v63  }
0xcb: {  	v3 =	vld [tilespmem:$0xA0];
	_ =	sdelay $0x4  }
0xcc: {  	v61 =	vshrl.u32 v3, $0x3  }
0xcd: {  	v4 =	vmul.u32 $0x30, v61  }
0xce: {  	v3 =	vand.u32 $0x7, v3  }
0xcf: {  	v3 =	vor.u32 v3, v4  }
0xd0: {  	v4 =	vperm.xlane v3, v0;
	_ =	sdelay $0x1  }
0xd1: {  	v4 =	vadd.s32 v1, v4;
	_ =	sdelay $0x3  }
0xd2: {  	v3 =	vperm.xlane v3, v2  }
0xd3: {  	[tilespmem:s14], [sflag:$0x1] =	stream.indirect_vreg.gather [hbm4b:s2+s3], $0x80, v4, vm0, $0xb8;
	[tilespmem:$0x1E100] =	vst v63  }
0xd4: {  	v3 =	vadd.s32 v1, v3  }
0xd5: {  	[tilespmem:s15], [sflag:$0x1] =	stream.indirect_vreg.gather [hbm4b:s5+s3], $0x80, v4, vm0, $0xb8;
	[tilespmem:$0x1E100] =	vst v63  }
0xd6: {  	_ = 	snop  }
0xd7: {  	[tilespmem:s16], [sflag:$0x1] =	stream.indirect_vreg.gather [hbm4b:s6+s3], $0x80, v4, vm0, $0xb8;
	[tilespmem:$0x1E100] =	vst v63  }
0xd8: {  	_ = 	snop  }
0xd9: {  	[tilespmem:s17], [sflag:$0x1] =	stream.indirect_vreg.gather [hbm4b:s2+s3], $0x80, v3, vm0, $0xb8;
	[tilespmem:$0x1E100] =	vst v63  }
0xda: {  	_ = 	snop  }
0xdb: {  	[tilespmem:s18], [sflag:$0x1] =	stream.indirect_vreg.gather [hbm4b:s5+s3], $0x80, v3, vm0, $0xb8;
	[tilespmem:$0x1E100] =	vst v63  }
0xdc: {  	_ = 	snop  }
0xdd: {  	[tilespmem:s19], [sflag:$0x1] =	stream.indirect_vreg.gather [hbm4b:s6+s3], $0x80, v3, vm0, $0xb8;
	[tilespmem:$0x1E100] =	vst v63  }
0xde: {  	v3 =	vld [tilespmem:$0xB0];
	_ =	sdelay $0x4  }
0xdf: {  	v62 =	vshrl.u32 v3, $0x3  }
0xe0: {  	v4 =	vmul.u32 $0x30, v62  }
0xe1: {  	v3 =	vand.u32 $0x7, v3  }
0xe2: {  	v3 =	vor.u32 v3, v4  }
0xe3: {  	v4 =	vperm.xlane v3, v0;
	_ =	sdelay $0x1  }
0xe4: {  	v4 =	vadd.s32 v1, v4;
	_ =	sdelay $0x3  }
0xe5: {  	v3 =	vperm.xlane v3, v2  }
0xe6: {  	[tilespmem:s20], [sflag:$0x1] =	stream.indirect_vreg.gather [hbm4b:s2+s3], $0x80, v4, vm0, $0xb8;
	[tilespmem:$0x1E100] =	vst v63  }
0xe7: {  	v3 =	vadd.s32 v1, v3  }
0xe8: {  	[tilespmem:s21], [sflag:$0x1] =	stream.indirect_vreg.gather [hbm4b:s5+s3], $0x80, v4, vm0, $0xb8;
	[tilespmem:$0x1E100] =	vst v63  }
0xe9: {  	_ = 	snop  }
0xea: {  	[tilespmem:s22], [sflag:$0x1] =	stream.indirect_vreg.gather [hbm4b:s6+s3], $0x80, v4, vm0, $0xb8;
	[tilespmem:$0x1E100] =	vst v63  }
0xeb: {  	_ = 	snop  }
0xec: {  	[tilespmem:s23], [sflag:$0x1] =	stream.indirect_vreg.gather [hbm4b:s2+s3], $0x80, v3, vm0, $0xb8;
	[tilespmem:$0x1E100] =	vst v63  }
0xed: {  	_ = 	snop  }
0xee: {  	[tilespmem:s24], [sflag:$0x1] =	stream.indirect_vreg.gather [hbm4b:s5+s3], $0x80, v3, vm0, $0xb8;
	[tilespmem:$0x1E100] =	vst v63  }
0xef: {  	_ = 	snop  }
0xf0: {  	[tilespmem:s25], [sflag:$0x1] =	stream.indirect_vreg.gather [hbm4b:s6+s3], $0x80, v3, vm0, $0xb8;
	[tilespmem:$0x1E100] =	vst v63  }
0xf1: {  	v3 =	vld [tilespmem:$0xC0];
	_ =	sdelay $0x4  }
0xf2: {  	v63 =	vshrl.u32 v3, $0x3  }
0xf3: {  	v4 =	vmul.u32 $0x30, v63  }
0xf4: {  	v3 =	vand.u32 $0x7, v3  }
0xf5: {  	v3 =	vor.u32 v3, v4  }
0xf6: {  	v4 =	vperm.xlane v3, v0;
	_ =	sdelay $0x1  }
0xf7: {  	v4 =	vadd.s32 v1, v4;
	_ =	sdelay $0x3  }
0xf8: {  	v3 =	vperm.xlane v3, v2  }
0xf9: {  	[tilespmem:s26], [sflag:$0x1] =	stream.indirect_vreg.gather [hbm4b:s2+s3], $0x80, v4, vm0, $0xb8;
	[tilespmem:$0x1E100] =	vst v63  }
0xfa: {  	v3 =	vadd.s32 v1, v3  }
0xfb: {  	[tilespmem:s28], [sflag:$0x1] =	stream.indirect_vreg.gather [hbm4b:s5+s3], $0x80, v4, vm0, $0xb8;
	[tilespmem:$0x1E100] =	vst v63  }
0xfc: {  	_ = 	snop  }
0xfd: {  	[tilespmem:s29], [sflag:$0x1] =	stream.indirect_vreg.gather [hbm4b:s6+s3], $0x80, v4, vm0, $0xb8;
	[tilespmem:$0x1E100] =	vst v63  }
0xfe: {  	_ = 	snop  }
0xff: {  	[tilespmem:s30], [sflag:$0x1] =	stream.indirect_vreg.gather [hbm4b:s2+s3], $0x80, v3, vm0, $0xb8;
	[tilespmem:$0x1E100] =	vst v63  }
0x100: {  	_ = 	snop  }
0x101: {  	[tilespmem:s31], [sflag:$0x1] =	stream.indirect_vreg.gather [hbm4b:s5+s3], $0x80, v3, vm0, $0xb8;
	[tilespmem:$0x1E100] =	vst v63  }
0x102: {  	_ = 	snop  }
0x103: {  	[tilespmem:s1], [sflag:$0x1] =	stream.indirect_vreg.gather [hbm4b:s6+s3], $0x80, v3, vm0, $0xb8;
	[tilespmem:$0x1E100] =	vst v63  }
0x104: {  	_ =	swait.ge [sflag:s10], $0xF000  }
0x105: {  	p0 =	sne.s32 s7, $0x1;
	[sflag:s10] =	ssyncset.done $0x0  }
.Ltmp0:
0x106: {  	s12 =	rddreg [dreg:$0x6];
	[sflag:s10] =	ssyncadd.s32 $0xFFFF1000;
	(pc) =	sbr.rel @p0 .LBB2_1-.Ltmp0, $4  }
0x107: {  	[hbm4b:s12+s3] =	stream.linear.scatter [tilespmem:s11], [sflag:$0x2], $0xF000, $0x38;
	[tilespmem:$0x1E100] =	vst v63  }
0x108: {  	_ =	swait.ge [sflag:s8], $0xF000  }
0x109: {  	[sflag:s8] =	ssyncset.done $0x0  }
0x10a: {  	s7 =	sadd.s32 $0xFFFFFFFF, s7;
	[sflag:s8] =	ssyncadd.s32 $0xFFFF1000  }
0x10b: {  	_ =	sfence.sel $0x180000  }
0x10c: {  	[bflag:$0x0] =	sbarrier.arrive $0xFFFF  }
0x10d: {  	_ =	strace $0x90000047  }
0x10e: {  	s0 =	stileid.u32;
	[bflag:$0x2] =	sbarrier.arrive $0xFFFF  }
0x10f: {  	p0 =	sne.s32 s0, $0x0;
	s0 =	rddreg [dreg:$0x3]  }
0x110: {  	s0 =	sadd.s32 @!p0 $0x100000, s0  }
0x111: {  	[sflag:s0] =	ssyncadd.tile.s32 @!p0 $0x1;
	_ =	shalt  }
.Lfunc_end2:
_tile_overlayer_lowered:
.L_overlay_start_2:
0x112: {  	(tag) =	ssettag $0x2  }
0x113: {  	s0 =	rddreg [dreg:$0x0];
	s2 =	stileid.u32  }
0x114: {  	s1 =	rddreg [dreg:$0x1];
	p0 =	sne.s32 s2, $0x0  }
0x115: {  	s3 =	rddreg [dreg:$0x2];
	[bflag:$0x3] =	sbarrier.arrive $0xFFFF;
	s2 =	simm.s32 @!p0 $0x1C02  }
0x116: {  	[timem:s3], [sflag:s2] =	dma.local @!p0 [hbm:s0], s1  }
0x117: {  	s0 =	simm.s32 @!p0 $0x2  }
0x118: {  	_ =	swait.ge @!p0 [sflag:s0], s1  }
0x119: {  	s1 =	ssub.s32 @!p0 $0x0, s1;
	[sflag:s0] =	ssyncset.done @!p0 $0x0  }
0x11a: {  	[sflag:s0] =	ssyncadd.s32 @!p0 s1  }
0x11b: {  	[bflag:$0x3] =	sbarrier.arrive $0xFFFF  }
0x11c: {  	_ =	shalt  }

</sc_bundles>
